<compile_context>
chip_gen: v7x
topology: tpu7x:2x2x1
jax: 0.10.2.dev20260603
libtpu: 0.0.44.dev20260713+nightly
codegen_flags: <defaults>
</compile_context>

<pallas_src>
import functools

import jax
import jax.numpy as jnp
from jax import lax
from jax.experimental import pallas as pl
from jax.experimental.pallas import tpu as pltpu
from jax.experimental.pallas import tpu_sc as plsc

BATCH = 4096
HIST = 200
EMBED = 64
MAXF = 1000000
TOTAL = BATCH * HIST

_info = plsc.get_sparse_core_info()
NC = _info.num_cores
NS = _info.num_subcores
NW = NC * NS
PER_W = TOTAL // NW

SUB = 80
K = 8
CHUNK = SUB * K
N_CHUNKS = PER_W // CHUNK

_mesh = plsc.VectorSubcoreMesh(core_axis_name="c", subcore_axis_name="s")


@functools.partial(
    pl.kernel,
    mesh=_mesh,
    out_type=jax.ShapeDtypeStruct((TOTAL, 2 * EMBED), jnp.float32),
    compiler_params=pltpu.CompilerParams(use_tc_tiling_on_sc=False),
    scratch_types=[
        pltpu.VMEM((PER_W,), jnp.int32),
        pltpu.VMEM((CHUNK, EMBED), jnp.float32),
        pltpu.VMEM((CHUNK, EMBED), jnp.float32),
        pltpu.SemaphoreType.DMA,
        pltpu.SemaphoreType.DMA,
        pltpu.SemaphoreType.DMA,
        pltpu.SemaphoreType.DMA,
    ],
)
def _gather_all(idx_hbm, table_hbm, out_hbm, idx_v, rows_a, rows_b,
                sem_ga, sem_gb, sem_oa, sem_ob):
    wid = lax.axis_index("s") * NC + lax.axis_index("c")
    out_row0 = wid * PER_W

    def g_fire(rows, sem, c):
        for j in range(K):
            pltpu.async_copy(
                table_hbm.at[idx_v.at[pl.ds(c * CHUNK + j * SUB, SUB)]],
                rows.at[pl.ds(j * SUB, SUB)],
                sem,
            )

    def g_wait(rows, sem):
        for j in range(K):
            pltpu.make_async_copy(
                table_hbm.at[idx_v.at[pl.ds(0, SUB)]],
                rows.at[pl.ds(j * SUB, SUB)],
                sem,
            ).wait()

    def o_fire(rows, sem, c):
        pltpu.async_copy(
            rows,
            out_hbm.at[pl.ds(out_row0 + c * CHUNK, CHUNK), pl.ds(0, EMBED)],
            sem)

    def o_wait(rows, sem):
        pltpu.make_async_copy(
            rows,
            out_hbm.at[pl.ds(out_row0, CHUNK), pl.ds(0, EMBED)],
            sem).wait()

    pltpu.sync_copy(idx_hbm.at[pl.ds(wid * PER_W, PER_W)], idx_v)

    g_fire(rows_a, sem_ga, 0)
    g_wait(rows_a, sem_ga)
    g_fire(rows_b, sem_gb, 1)
    o_fire(rows_a, sem_oa, 0)

    def body(g, carry):
        o_wait(rows_a, sem_oa)
        g_fire(rows_a, sem_ga, 2 * g + 2)
        g_wait(rows_b, sem_gb)
        o_fire(rows_b, sem_ob, 2 * g + 1)
        o_wait(rows_b, sem_ob)
        g_fire(rows_b, sem_gb, 2 * g + 3)
        g_wait(rows_a, sem_ga)
        o_fire(rows_a, sem_oa, 2 * g + 2)
        return carry

    lax.fori_loop(0, N_CHUNKS // 2 - 1, body, 0)

    o_wait(rows_a, sem_oa)
    g_wait(rows_b, sem_gb)
    o_fire(rows_b, sem_ob, N_CHUNKS - 1)
    o_wait(rows_b, sem_ob)


def kernel(x, table):
    pad_mat = jnp.eye(EMBED, 2 * EMBED, dtype=jnp.float32)
    table2 = jnp.matmul(
        table, pad_mat, precision=jax.lax.Precision.HIGHEST
    ).reshape(2 * MAXF, EMBED)
    idx = x.reshape(TOTAL).astype(jnp.int32) * 2
    out = _gather_all(idx, table2)
    return out.reshape(BATCH, HIST, 2 * EMBED)[:, :, :EMBED]

# --- scband reference (transcript-rebuilt; emitter-appended) ---
"""Pipeline reference for scband-model-embedding-6992206758520 (READ-ONLY COPY).

The authoritative reference and input builder live on the scoring server;
editing this copy changes nothing except your own understanding.
"""

import jax, jax.numpy as jnp
import numpy as np

MAX_FEATURES = 1000000
EMBED_SIZE = 64
BATCH = 4096
HIST = 200

def setup_inputs(seed: int = 0) -> dict:
    key = jax.random.key(seed)
    k1, k2 = jax.random.split(key)
    x = jax.random.randint(k1, (BATCH, HIST), 0, MAX_FEATURES, dtype=jnp.int64 if jax.config.jax_enable_x64 else jnp.int32)
    table = jax.random.normal(k2, (MAX_FEATURES, EMBED_SIZE), dtype=jnp.float32)
    return {"x": x, "table": table}

def reference(x, table):
    # ModelEmbedding.forward: embedding lookup followed by SpatialDropout.
    # SpatialDropout (nn.Dropout2d) is identity in eval/inference mode.
    h_embedding = jnp.take(table, x, axis=0)  # [B, L, E]
    return h_embedding

if __name__ == "__main__":
    import jax
    _d = setup_inputs()
    print(jax.jit(kernel)(*tuple(_d.values())))

</pallas_src>

<mosaic_0001>
#map = affine_map<(d0, d1) -> (0)>
#map1 = affine_map<(d0, d1) -> (0, 0)>
module attributes {stable_mosaic.version = 14 : i64} {
  func.func @_gather_all(%arg0: i32, %arg1: i32, %arg2: memref<819200xi32, #tpu.memory_space<hbm>>, %arg3: memref<2000000x64xf32, #tpu.memory_space<hbm>>, %arg4: memref<819200x128xf32, #tpu.memory_space<hbm>>, %arg5: memref<25600xi32, #tpu.memory_space<vmem>>, %arg6: memref<640x64xf32, #tpu.memory_space<vmem>>, %arg7: memref<640x64xf32, #tpu.memory_space<vmem>>, %arg8: memref<!tpu.dma_semaphore, #tpu.memory_space<semaphore_mem>>, %arg9: memref<!tpu.dma_semaphore, #tpu.memory_space<semaphore_mem>>, %arg10: memref<!tpu.dma_semaphore, #tpu.memory_space<semaphore_mem>>, %arg11: memref<!tpu.dma_semaphore, #tpu.memory_space<semaphore_mem>>) attributes {dimension_semantics = [#tpu.dimension_semantics<core_parallel>, #tpu.dimension_semantics<subcore_parallel>], iteration_bounds = array<i64: 2, 16>, scalar_prefetch = 0 : i64, scratch_operands = 7 : i64, tpu.core_type = #tpu.core_type<sc_vector_subcore>, window_params = [{transform_indices = #map}, {transform_indices = #map1}, {transform_indices = #map1}]} {
    %mul3A = arith.constant 2 : i32
    %mul3A_0 = arith.muli %arg1, %mul3A : i32
    %add3A = arith.addi %mul3A_0, %arg0 : i32
    %mul3A_1 = arith.constant 25600 : i32
    %mul3A_2 = arith.muli %add3A, %mul3A_1 : i32
    %mul3A_3 = arith.constant 25600 : i32
    %mul3A_4 = arith.muli %add3A, %mul3A_3 : i32
    "tpu.region"() ({
      %run_scoped3A = tpu.sem_alloc : memref<!tpu.dma_semaphore, #tpu.memory_space<semaphore_mem>>
      %dma_start3A_284 = tpu.memref_slice %arg2[%mul3A_4] : memref<819200xi32, #tpu.memory_space<hbm>> -> memref<25600xi32, #tpu.memory_space<hbm>>
      %dma_start3A_285 = tpu.memref_slice %arg2[%mul3A_4] : memref<819200xi32, #tpu.memory_space<hbm>> -> memref<25600xi32, #tpu.memory_space<hbm>>
      tpu.enqueue_dma source(%dma_start3A_285 : memref<25600xi32, #tpu.memory_space<hbm>>) target(%arg5 : memref<25600xi32, #tpu.memory_space<vmem>>) target_semaphore(%run_scoped3A : memref<!tpu.dma_semaphore, #tpu.memory_space<semaphore_mem>>)
      %dma_wait3A_286 = tpu.memref_slice %arg2[%mul3A_4] : memref<819200xi32, #tpu.memory_space<hbm>> -> memref<25600xi32, #tpu.memory_space<hbm>>
      %dma_wait3A_287 = tpu.memref_slice %arg2[%mul3A_4] : memref<819200xi32, #tpu.memory_space<hbm>> -> memref<25600xi32, #tpu.memory_space<hbm>>
      tpu.wait_dma2 semaphore(%run_scoped3A : memref<!tpu.dma_semaphore, #tpu.memory_space<semaphore_mem>>) src(%dma_wait3A_287 : memref<25600xi32, #tpu.memory_space<hbm>>) dst(%arg5 : memref<25600xi32, #tpu.memory_space<vmem>>)
      tpu.yield
    }) : () -> ()
    %dma_start3A = arith.constant 0 : i32
    %dma_start3A_5 = arith.constant 0 : i32
    %dma_start3A_6 = tpu.memref_slice %arg6[%dma_start3A, %dma_start3A_5] : memref<640x64xf32, #tpu.memory_space<vmem>> -> memref<80x64xf32, #tpu.memory_space<vmem>>
    %dma_start3A_7 = arith.constant 0 : i32
    %dma_start3A_8 = tpu.memref_slice %arg5[%dma_start3A_7] : memref<25600xi32, #tpu.memory_space<vmem>> -> memref<80xi32, #tpu.memory_space<vmem>>
    %dma_start3A_9 = arith.constant 0 : i32
    %dma_start3A_10 = arith.constant 0 : i32
    %dma_start3A_11 = tpu.memref_slice %arg3[%dma_start3A_9, %dma_start3A_10] : memref<2000000x64xf32, #tpu.memory_space<hbm>> -> memref<2000000x64xf32, #tpu.memory_space<hbm>>
    tpu.enqueue_indirect_dma source(%dma_start3A_11 : memref<2000000x64xf32, #tpu.memory_space<hbm>>) target(%dma_start3A_6 : memref<80x64xf32, #tpu.memory_space<vmem>>) offsets(%dma_start3A_8 : memref<80xi32, #tpu.memory_space<vmem>>) semaphore(%arg8 : memref<!tpu.dma_semaphore, #tpu.memory_space<semaphore_mem>>)
    %dma_start3A_12 = arith.constant 80 : i32
    %dma_start3A_13 = arith.constant 0 : i32
    %dma_start3A_14 = tpu.memref_slice %arg6[%dma_start3A_12, %dma_start3A_13] : memref<640x64xf32, #tpu.memory_space<vmem>> -> memref<80x64xf32, #tpu.memory_space<vmem>>
    %dma_start3A_15 = arith.constant 80 : i32
    %dma_start3A_16 = tpu.memref_slice %arg5[%dma_start3A_15] : memref<25600xi32, #tpu.memory_space<vmem>> -> memref<80xi32, #tpu.memory_space<vmem>>
    %dma_start3A_17 = arith.constant 0 : i32
    %dma_start3A_18 = arith.constant 0 : i32
    %dma_start3A_19 = tpu.memref_slice %arg3[%dma_start3A_17, %dma_start3A_18] : memref<2000000x64xf32, #tpu.memory_space<hbm>> -> memref<2000000x64xf32, #tpu.memory_space<hbm>>
    tpu.enqueue_indirect_dma source(%dma_start3A_19 : memref<2000000x64xf32, #tpu.memory_space<hbm>>) target(%dma_start3A_14 : memref<80x64xf32, #tpu.memory_space<vmem>>) offsets(%dma_start3A_16 : memref<80xi32, #tpu.memory_space<vmem>>) semaphore(%arg8 : memref<!tpu.dma_semaphore, #tpu.memory_space<semaphore_mem>>)
    %dma_start3A_20 = arith.constant 160 : i32
    %dma_start3A_21 = arith.constant 0 : i32
    %dma_start3A_22 = tpu.memref_slice %arg6[%dma_start3A_20, %dma_start3A_21] : memref<640x64xf32, #tpu.memory_space<vmem>> -> memref<80x64xf32, #tpu.memory_space<vmem>>
    %dma_start3A_23 = arith.constant 160 : i32
    %dma_start3A_24 = tpu.memref_slice %arg5[%dma_start3A_23] : memref<25600xi32, #tpu.memory_space<vmem>> -> memref<80xi32, #tpu.memory_space<vmem>>
    %dma_start3A_25 = arith.constant 0 : i32
    %dma_start3A_26 = arith.constant 0 : i32
    %dma_start3A_27 = tpu.memref_slice %arg3[%dma_start3A_25, %dma_start3A_26] : memref<2000000x64xf32, #tpu.memory_space<hbm>> -> memref<2000000x64xf32, #tpu.memory_space<hbm>>
    tpu.enqueue_indirect_dma source(%dma_start3A_27 : memref<2000000x64xf32, #tpu.memory_space<hbm>>) target(%dma_start3A_22 : memref<80x64xf32, #tpu.memory_space<vmem>>) offsets(%dma_start3A_24 : memref<80xi32, #tpu.memory_space<vmem>>) semaphore(%arg8 : memref<!tpu.dma_semaphore, #tpu.memory_space<semaphore_mem>>)
    %dma_start3A_28 = arith.constant 240 : i32
    %dma_start3A_29 = arith.constant 0 : i32
    %dma_start3A_30 = tpu.memref_slice %arg6[%dma_start3A_28, %dma_start3A_29] : memref<640x64xf32, #tpu.memory_space<vmem>> -> memref<80x64xf32, #tpu.memory_space<vmem>>
    %dma_start3A_31 = arith.constant 240 : i32
    %dma_start3A_32 = tpu.memref_slice %arg5[%dma_start3A_31] : memref<25600xi32, #tpu.memory_space<vmem>> -> memref<80xi32, #tpu.memory_space<vmem>>
    %dma_start3A_33 = arith.constant 0 : i32
    %dma_start3A_34 = arith.constant 0 : i32
    %dma_start3A_35 = tpu.memref_slice %arg3[%dma_start3A_33, %dma_start3A_34] : memref<2000000x64xf32, #tpu.memory_space<hbm>> -> memref<2000000x64xf32, #tpu.memory_space<hbm>>
    tpu.enqueue_indirect_dma source(%dma_start3A_35 : memref<2000000x64xf32, #tpu.memory_space<hbm>>) target(%dma_start3A_30 : memref<80x64xf32, #tpu.memory_space<vmem>>) offsets(%dma_start3A_32 : memref<80xi32, #tpu.memory_space<vmem>>) semaphore(%arg8 : memref<!tpu.dma_semaphore, #tpu.memory_space<semaphore_mem>>)
    %dma_start3A_36 = arith.constant 320 : i32
    %dma_start3A_37 = arith.constant 0 : i32
    %dma_start3A_38 = tpu.memref_slice %arg6[%dma_start3A_36, %dma_start3A_37] : memref<640x64xf32, #tpu.memory_space<vmem>> -> memref<80x64xf32, #tpu.memory_space<vmem>>
    %dma_start3A_39 = arith.constant 320 : i32
    %dma_start3A_40 = tpu.memref_slice %arg5[%dma_start3A_39] : memref<25600xi32, #tpu.memory_space<vmem>> -> memref<80xi32, #tpu.memory_space<vmem>>
    %dma_start3A_41 = arith.constant 0 : i32
    %dma_start3A_42 = arith.constant 0 : i32
    %dma_start3A_43 = tpu.memref_slice %arg3[%dma_start3A_41, %dma_start3A_42] : memref<2000000x64xf32, #tpu.memory_space<hbm>> -> memref<2000000x64xf32, #tpu.memory_space<hbm>>
    tpu.enqueue_indirect_dma source(%dma_start3A_43 : memref<2000000x64xf32, #tpu.memory_space<hbm>>) target(%dma_start3A_38 : memref<80x64xf32, #tpu.memory_space<vmem>>) offsets(%dma_start3A_40 : memref<80xi32, #tpu.memory_space<vmem>>) semaphore(%arg8 : memref<!tpu.dma_semaphore, #tpu.memory_space<semaphore_mem>>)
    %dma_start3A_44 = arith.constant 400 : i32
    %dma_start3A_45 = arith.constant 0 : i32
    %dma_start3A_46 = tpu.memref_slice %arg6[%dma_start3A_44, %dma_start3A_45] : memref<640x64xf32, #tpu.memory_space<vmem>> -> memref<80x64xf32, #tpu.memory_space<vmem>>
    %dma_start3A_47 = arith.constant 400 : i32
    %dma_start3A_48 = tpu.memref_slice %arg5[%dma_start3A_47] : memref<25600xi32, #tpu.memory_space<vmem>> -> memref<80xi32, #tpu.memory_space<vmem>>
    %dma_start3A_49 = arith.constant 0 : i32
    %dma_start3A_50 = arith.constant 0 : i32
    %dma_start3A_51 = tpu.memref_slice %arg3[%dma_start3A_49, %dma_start3A_50] : memref<2000000x64xf32, #tpu.memory_space<hbm>> -> memref<2000000x64xf32, #tpu.memory_space<hbm>>
    tpu.enqueue_indirect_dma source(%dma_start3A_51 : memref<2000000x64xf32, #tpu.memory_space<hbm>>) target(%dma_start3A_46 : memref<80x64xf32, #tpu.memory_space<vmem>>) offsets(%dma_start3A_48 : memref<80xi32, #tpu.memory_space<vmem>>) semaphore(%arg8 : memref<!tpu.dma_semaphore, #tpu.memory_space<semaphore_mem>>)
    %dma_start3A_52 = arith.constant 480 : i32
    %dma_start3A_53 = arith.constant 0 : i32
    %dma_start3A_54 = tpu.memref_slice %arg6[%dma_start3A_52, %dma_start3A_53] : memref<640x64xf32, #tpu.memory_space<vmem>> -> memref<80x64xf32, #tpu.memory_space<vmem>>
    %dma_start3A_55 = arith.constant 480 : i32
    %dma_start3A_56 = tpu.memref_slice %arg5[%dma_start3A_55] : memref<25600xi32, #tpu.memory_space<vmem>> -> memref<80xi32, #tpu.memory_space<vmem>>
    %dma_start3A_57 = arith.constant 0 : i32
    %dma_start3A_58 = arith.constant 0 : i32
    %dma_start3A_59 = tpu.memref_slice %arg3[%dma_start3A_57, %dma_start3A_58] : memref<2000000x64xf32, #tpu.memory_space<hbm>> -> memref<2000000x64xf32, #tpu.memory_space<hbm>>
    tpu.enqueue_indirect_dma source(%dma_start3A_59 : memref<2000000x64xf32, #tpu.memory_space<hbm>>) target(%dma_start3A_54 : memref<80x64xf32, #tpu.memory_space<vmem>>) offsets(%dma_start3A_56 : memref<80xi32, #tpu.memory_space<vmem>>) semaphore(%arg8 : memref<!tpu.dma_semaphore, #tpu.memory_space<semaphore_mem>>)
    %dma_start3A_60 = arith.constant 560 : i32
    %dma_start3A_61 = arith.constant 0 : i32
    %dma_start3A_62 = tpu.memref_slice %arg6[%dma_start3A_60, %dma_start3A_61] : memref<640x64xf32, #tpu.memory_space<vmem>> -> memref<80x64xf32, #tpu.memory_space<vmem>>
    %dma_start3A_63 = arith.constant 560 : i32
    %dma_start3A_64 = tpu.memref_slice %arg5[%dma_start3A_63] : memref<25600xi32, #tpu.memory_space<vmem>> -> memref<80xi32, #tpu.memory_space<vmem>>
    %dma_start3A_65 = arith.constant 0 : i32
    %dma_start3A_66 = arith.constant 0 : i32
    %dma_start3A_67 = tpu.memref_slice %arg3[%dma_start3A_65, %dma_start3A_66] : memref<2000000x64xf32, #tpu.memory_space<hbm>> -> memref<2000000x64xf32, #tpu.memory_space<hbm>>
    tpu.enqueue_indirect_dma source(%dma_start3A_67 : memref<2000000x64xf32, #tpu.memory_space<hbm>>) target(%dma_start3A_62 : memref<80x64xf32, #tpu.memory_space<vmem>>) offsets(%dma_start3A_64 : memref<80xi32, #tpu.memory_space<vmem>>) semaphore(%arg8 : memref<!tpu.dma_semaphore, #tpu.memory_space<semaphore_mem>>)
    %dma_wait3A = arith.constant 0 : i32
    %dma_wait3A_68 = arith.constant 0 : i32
    %dma_wait3A_69 = tpu.memref_slice %arg6[%dma_wait3A, %dma_wait3A_68] : memref<640x64xf32, #tpu.memory_space<vmem>> -> memref<80x64xf32, #tpu.memory_space<vmem>>
    %dma_wait3A_70 = arith.constant 0 : i32
    %dma_wait3A_71 = tpu.memref_slice %arg5[%dma_wait3A_70] : memref<25600xi32, #tpu.memory_space<vmem>> -> memref<80xi32, #tpu.memory_space<vmem>>
    %dma_wait3A_72 = arith.constant 0 : i32
    %dma_wait3A_73 = arith.constant 0 : i32
    %dma_wait3A_74 = tpu.memref_slice %arg3[%dma_wait3A_72, %dma_wait3A_73] : memref<2000000x64xf32, #tpu.memory_space<hbm>> -> memref<2000000x64xf32, #tpu.memory_space<hbm>>
    tpu.wait_indirect_dma semaphore(%arg8 : memref<!tpu.dma_semaphore, #tpu.memory_space<semaphore_mem>>) src(%dma_wait3A_74 : memref<2000000x64xf32, #tpu.memory_space<hbm>>) dst(%dma_wait3A_69 : memref<80x64xf32, #tpu.memory_space<vmem>>)
    %dma_wait3A_75 = arith.constant 80 : i32
    %dma_wait3A_76 = arith.constant 0 : i32
    %dma_wait3A_77 = tpu.memref_slice %arg6[%dma_wait3A_75, %dma_wait3A_76] : memref<640x64xf32, #tpu.memory_space<vmem>> -> memref<80x64xf32, #tpu.memory_space<vmem>>
    %dma_wait3A_78 = arith.constant 0 : i32
    %dma_wait3A_79 = tpu.memref_slice %arg5[%dma_wait3A_78] : memref<25600xi32, #tpu.memory_space<vmem>> -> memref<80xi32, #tpu.memory_space<vmem>>
    %dma_wait3A_80 = arith.constant 0 : i32
    %dma_wait3A_81 = arith.constant 0 : i32
    %dma_wait3A_82 = tpu.memref_slice %arg3[%dma_wait3A_80, %dma_wait3A_81] : memref<2000000x64xf32, #tpu.memory_space<hbm>> -> memref<2000000x64xf32, #tpu.memory_space<hbm>>
    tpu.wait_indirect_dma semaphore(%arg8 : memref<!tpu.dma_semaphore, #tpu.memory_space<semaphore_mem>>) src(%dma_wait3A_82 : memref<2000000x64xf32, #tpu.memory_space<hbm>>) dst(%dma_wait3A_77 : memref<80x64xf32, #tpu.memory_space<vmem>>)
    %dma_wait3A_83 = arith.constant 160 : i32
    %dma_wait3A_84 = arith.constant 0 : i32
    %dma_wait3A_85 = tpu.memref_slice %arg6[%dma_wait3A_83, %dma_wait3A_84] : memref<640x64xf32, #tpu.memory_space<vmem>> -> memref<80x64xf32, #tpu.memory_space<vmem>>
    %dma_wait3A_86 = arith.constant 0 : i32
    %dma_wait3A_87 = tpu.memref_slice %arg5[%dma_wait3A_86] : memref<25600xi32, #tpu.memory_space<vmem>> -> memref<80xi32, #tpu.memory_space<vmem>>
    %dma_wait3A_88 = arith.constant 0 : i32
    %dma_wait3A_89 = arith.constant 0 : i32
    %dma_wait3A_90 = tpu.memref_slice %arg3[%dma_wait3A_88, %dma_wait3A_89] : memref<2000000x64xf32, #tpu.memory_space<hbm>> -> memref<2000000x64xf32, #tpu.memory_space<hbm>>
    tpu.wait_indirect_dma semaphore(%arg8 : memref<!tpu.dma_semaphore, #tpu.memory_space<semaphore_mem>>) src(%dma_wait3A_90 : memref<2000000x64xf32, #tpu.memory_space<hbm>>) dst(%dma_wait3A_85 : memref<80x64xf32, #tpu.memory_space<vmem>>)
    %dma_wait3A_91 = arith.constant 240 : i32
    %dma_wait3A_92 = arith.constant 0 : i32
    %dma_wait3A_93 = tpu.memref_slice %arg6[%dma_wait3A_91, %dma_wait3A_92] : memref<640x64xf32, #tpu.memory_space<vmem>> -> memref<80x64xf32, #tpu.memory_space<vmem>>
    %dma_wait3A_94 = arith.constant 0 : i32
    %dma_wait3A_95 = tpu.memref_slice %arg5[%dma_wait3A_94] : memref<25600xi32, #tpu.memory_space<vmem>> -> memref<80xi32, #tpu.memory_space<vmem>>
    %dma_wait3A_96 = arith.constant 0 : i32
    %dma_wait3A_97 = arith.constant 0 : i32
    %dma_wait3A_98 = tpu.memref_slice %arg3[%dma_wait3A_96, %dma_wait3A_97] : memref<2000000x64xf32, #tpu.memory_space<hbm>> -> memref<2000000x64xf32, #tpu.memory_space<hbm>>
    tpu.wait_indirect_dma semaphore(%arg8 : memref<!tpu.dma_semaphore, #tpu.memory_space<semaphore_mem>>) src(%dma_wait3A_98 : memref<2000000x64xf32, #tpu.memory_space<hbm>>) dst(%dma_wait3A_93 : memref<80x64xf32, #tpu.memory_space<vmem>>)
    %dma_wait3A_99 = arith.constant 320 : i32
    %dma_wait3A_100 = arith.constant 0 : i32
    %dma_wait3A_101 = tpu.memref_slice %arg6[%dma_wait3A_99, %dma_wait3A_100] : memref<640x64xf32, #tpu.memory_space<vmem>> -> memref<80x64xf32, #tpu.memory_space<vmem>>
    %dma_wait3A_102 = arith.constant 0 : i32
    %dma_wait3A_103 = tpu.memref_slice %arg5[%dma_wait3A_102] : memref<25600xi32, #tpu.memory_space<vmem>> -> memref<80xi32, #tpu.memory_space<vmem>>
    %dma_wait3A_104 = arith.constant 0 : i32
    %dma_wait3A_105 = arith.constant 0 : i32
    %dma_wait3A_106 = tpu.memref_slice %arg3[%dma_wait3A_104, %dma_wait3A_105] : memref<2000000x64xf32, #tpu.memory_space<hbm>> -> memref<2000000x64xf32, #tpu.memory_space<hbm>>
    tpu.wait_indirect_dma semaphore(%arg8 : memref<!tpu.dma_semaphore, #tpu.memory_space<semaphore_mem>>) src(%dma_wait3A_106 : memref<2000000x64xf32, #tpu.memory_space<hbm>>) dst(%dma_wait3A_101 : memref<80x64xf32, #tpu.memory_space<vmem>>)
    %dma_wait3A_107 = arith.constant 400 : i32
    %dma_wait3A_108 = arith.constant 0 : i32
    %dma_wait3A_109 = tpu.memref_slice %arg6[%dma_wait3A_107, %dma_wait3A_108] : memref<640x64xf32, #tpu.memory_space<vmem>> -> memref<80x64xf32, #tpu.memory_space<vmem>>
    %dma_wait3A_110 = arith.constant 0 : i32
    %dma_wait3A_111 = tpu.memref_slice %arg5[%dma_wait3A_110] : memref<25600xi32, #tpu.memory_space<vmem>> -> memref<80xi32, #tpu.memory_space<vmem>>
    %dma_wait3A_112 = arith.constant 0 : i32
    %dma_wait3A_113 = arith.constant 0 : i32
    %dma_wait3A_114 = tpu.memref_slice %arg3[%dma_wait3A_112, %dma_wait3A_113] : memref<2000000x64xf32, #tpu.memory_space<hbm>> -> memref<2000000x64xf32, #tpu.memory_space<hbm>>
    tpu.wait_indirect_dma semaphore(%arg8 : memref<!tpu.dma_semaphore, #tpu.memory_space<semaphore_mem>>) src(%dma_wait3A_114 : memref<2000000x64xf32, #tpu.memory_space<hbm>>) dst(%dma_wait3A_109 : memref<80x64xf32, #tpu.memory_space<vmem>>)
    %dma_wait3A_115 = arith.constant 480 : i32
    %dma_wait3A_116 = arith.constant 0 : i32
    %dma_wait3A_117 = tpu.memref_slice %arg6[%dma_wait3A_115, %dma_wait3A_116] : memref<640x64xf32, #tpu.memory_space<vmem>> -> memref<80x64xf32, #tpu.memory_space<vmem>>
    %dma_wait3A_118 = arith.constant 0 : i32
    %dma_wait3A_119 = tpu.memref_slice %arg5[%dma_wait3A_118] : memref<25600xi32, #tpu.memory_space<vmem>> -> memref<80xi32, #tpu.memory_space<vmem>>
    %dma_wait3A_120 = arith.constant 0 : i32
    %dma_wait3A_121 = arith.constant 0 : i32
    %dma_wait3A_122 = tpu.memref_slice %arg3[%dma_wait3A_120, %dma_wait3A_121] : memref<2000000x64xf32, #tpu.memory_space<hbm>> -> memref<2000000x64xf32, #tpu.memory_space<hbm>>
    tpu.wait_indirect_dma semaphore(%arg8 : memref<!tpu.dma_semaphore, #tpu.memory_space<semaphore_mem>>) src(%dma_wait3A_122 : memref<2000000x64xf32, #tpu.memory_space<hbm>>) dst(%dma_wait3A_117 : memref<80x64xf32, #tpu.memory_space<vmem>>)
    %dma_wait3A_123 = arith.constant 560 : i32
    %dma_wait3A_124 = arith.constant 0 : i32
    %dma_wait3A_125 = tpu.memref_slice %arg6[%dma_wait3A_123, %dma_wait3A_124] : memref<640x64xf32, #tpu.memory_space<vmem>> -> memref<80x64xf32, #tpu.memory_space<vmem>>
    %dma_wait3A_126 = arith.constant 0 : i32
    %dma_wait3A_127 = tpu.memref_slice %arg5[%dma_wait3A_126] : memref<25600xi32, #tpu.memory_space<vmem>> -> memref<80xi32, #tpu.memory_space<vmem>>
    %dma_wait3A_128 = arith.constant 0 : i32
    %dma_wait3A_129 = arith.constant 0 : i32
    %dma_wait3A_130 = tpu.memref_slice %arg3[%dma_wait3A_128, %dma_wait3A_129] : memref<2000000x64xf32, #tpu.memory_space<hbm>> -> memref<2000000x64xf32, #tpu.memory_space<hbm>>
    tpu.wait_indirect_dma semaphore(%arg8 : memref<!tpu.dma_semaphore, #tpu.memory_space<semaphore_mem>>) src(%dma_wait3A_130 : memref<2000000x64xf32, #tpu.memory_space<hbm>>) dst(%dma_wait3A_125 : memref<80x64xf32, #tpu.memory_space<vmem>>)
    %dma_start3A_131 = arith.constant 0 : i32
    %dma_start3A_132 = arith.constant 0 : i32
    %dma_start3A_133 = tpu.memref_slice %arg7[%dma_start3A_131, %dma_start3A_132] : memref<640x64xf32, #tpu.memory_space<vmem>> -> memref<80x64xf32, #tpu.memory_space<vmem>>
    %dma_start3A_134 = arith.constant 640 : i32
    %dma_start3A_135 = tpu.memref_slice %arg5[%dma_start3A_134] : memref<25600xi32, #tpu.memory_space<vmem>> -> memref<80xi32, #tpu.memory_space<vmem>>
    %dma_start3A_136 = arith.constant 0 : i32
    %dma_start3A_137 = arith.constant 0 : i32
    %dma_start3A_138 = tpu.memref_slice %arg3[%dma_start3A_136, %dma_start3A_137] : memref<2000000x64xf32, #tpu.memory_space<hbm>> -> memref<2000000x64xf32, #tpu.memory_space<hbm>>
    tpu.enqueue_indirect_dma source(%dma_start3A_138 : memref<2000000x64xf32, #tpu.memory_space<hbm>>) target(%dma_start3A_133 : memref<80x64xf32, #tpu.memory_space<vmem>>) offsets(%dma_start3A_135 : memref<80xi32, #tpu.memory_space<vmem>>) semaphore(%arg9 : memref<!tpu.dma_semaphore, #tpu.memory_space<semaphore_mem>>)
    %dma_start3A_139 = arith.constant 80 : i32
    %dma_start3A_140 = arith.constant 0 : i32
    %dma_start3A_141 = tpu.memref_slice %arg7[%dma_start3A_139, %dma_start3A_140] : memref<640x64xf32, #tpu.memory_space<vmem>> -> memref<80x64xf32, #tpu.memory_space<vmem>>
    %dma_start3A_142 = arith.constant 720 : i32
    %dma_start3A_143 = tpu.memref_slice %arg5[%dma_start3A_142] : memref<25600xi32, #tpu.memory_space<vmem>> -> memref<80xi32, #tpu.memory_space<vmem>>
    %dma_start3A_144 = arith.constant 0 : i32
    %dma_start3A_145 = arith.constant 0 : i32
    %dma_start3A_146 = tpu.memref_slice %arg3[%dma_start3A_144, %dma_start3A_145] : memref<2000000x64xf32, #tpu.memory_space<hbm>> -> memref<2000000x64xf32, #tpu.memory_space<hbm>>
    tpu.enqueue_indirect_dma source(%dma_start3A_146 : memref<2000000x64xf32, #tpu.memory_space<hbm>>) target(%dma_start3A_141 : memref<80x64xf32, #tpu.memory_space<vmem>>) offsets(%dma_start3A_143 : memref<80xi32, #tpu.memory_space<vmem>>) semaphore(%arg9 : memref<!tpu.dma_semaphore, #tpu.memory_space<semaphore_mem>>)
    %dma_start3A_147 = arith.constant 160 : i32
    %dma_start3A_148 = arith.constant 0 : i32
    %dma_start3A_149 = tpu.memref_slice %arg7[%dma_start3A_147, %dma_start3A_148] : memref<640x64xf32, #tpu.memory_space<vmem>> -> memref<80x64xf32, #tpu.memory_space<vmem>>
    %dma_start3A_150 = arith.constant 800 : i32
    %dma_start3A_151 = tpu.memref_slice %arg5[%dma_start3A_150] : memref<25600xi32, #tpu.memory_space<vmem>> -> memref<80xi32, #tpu.memory_space<vmem>>
    %dma_start3A_152 = arith.constant 0 : i32
    %dma_start3A_153 = arith.constant 0 : i32
    %dma_start3A_154 = tpu.memref_slice %arg3[%dma_start3A_152, %dma_start3A_153] : memref<2000000x64xf32, #tpu.memory_space<hbm>> -> memref<2000000x64xf32, #tpu.memory_space<hbm>>
    tpu.enqueue_indirect_dma source(%dma_start3A_154 : memref<2000000x64xf32, #tpu.memory_space<hbm>>) target(%dma_start3A_149 : memref<80x64xf32, #tpu.memory_space<vmem>>) offsets(%dma_start3A_151 : memref<80xi32, #tpu.memory_space<vmem>>) semaphore(%arg9 : memref<!tpu.dma_semaphore, #tpu.memory_space<semaphore_mem>>)
    %dma_start3A_155 = arith.constant 240 : i32
    %dma_start3A_156 = arith.constant 0 : i32
    %dma_start3A_157 = tpu.memref_slice %arg7[%dma_start3A_155, %dma_start3A_156] : memref<640x64xf32, #tpu.memory_space<vmem>> -> memref<80x64xf32, #tpu.memory_space<vmem>>
    %dma_start3A_158 = arith.constant 880 : i32
    %dma_start3A_159 = tpu.memref_slice %arg5[%dma_start3A_158] : memref<25600xi32, #tpu.memory_space<vmem>> -> memref<80xi32, #tpu.memory_space<vmem>>
    %dma_start3A_160 = arith.constant 0 : i32
    %dma_start3A_161 = arith.constant 0 : i32
    %dma_start3A_162 = tpu.memref_slice %arg3[%dma_start3A_160, %dma_start3A_161] : memref<2000000x64xf32, #tpu.memory_space<hbm>> -> memref<2000000x64xf32, #tpu.memory_space<hbm>>
    tpu.enqueue_indirect_dma source(%dma_start3A_162 : memref<2000000x64xf32, #tpu.memory_space<hbm>>) target(%dma_start3A_157 : memref<80x64xf32, #tpu.memory_space<vmem>>) offsets(%dma_start3A_159 : memref<80xi32, #tpu.memory_space<vmem>>) semaphore(%arg9 : memref<!tpu.dma_semaphore, #tpu.memory_space<semaphore_mem>>)
    %dma_start3A_163 = arith.constant 320 : i32
    %dma_start3A_164 = arith.constant 0 : i32
    %dma_start3A_165 = tpu.memref_slice %arg7[%dma_start3A_163, %dma_start3A_164] : memref<640x64xf32, #tpu.memory_space<vmem>> -> memref<80x64xf32, #tpu.memory_space<vmem>>
    %dma_start3A_166 = arith.constant 960 : i32
    %dma_start3A_167 = tpu.memref_slice %arg5[%dma_start3A_166] : memref<25600xi32, #tpu.memory_space<vmem>> -> memref<80xi32, #tpu.memory_space<vmem>>
    %dma_start3A_168 = arith.constant 0 : i32
    %dma_start3A_169 = arith.constant 0 : i32
    %dma_start3A_170 = tpu.memref_slice %arg3[%dma_start3A_168, %dma_start3A_169] : memref<2000000x64xf32, #tpu.memory_space<hbm>> -> memref<2000000x64xf32, #tpu.memory_space<hbm>>
    tpu.enqueue_indirect_dma source(%dma_start3A_170 : memref<2000000x64xf32, #tpu.memory_space<hbm>>) target(%dma_start3A_165 : memref<80x64xf32, #tpu.memory_space<vmem>>) offsets(%dma_start3A_167 : memref<80xi32, #tpu.memory_space<vmem>>) semaphore(%arg9 : memref<!tpu.dma_semaphore, #tpu.memory_space<semaphore_mem>>)
    %dma_start3A_171 = arith.constant 400 : i32
    %dma_start3A_172 = arith.constant 0 : i32
    %dma_start3A_173 = tpu.memref_slice %arg7[%dma_start3A_171, %dma_start3A_172] : memref<640x64xf32, #tpu.memory_space<vmem>> -> memref<80x64xf32, #tpu.memory_space<vmem>>
    %dma_start3A_174 = arith.constant 1040 : i32
    %dma_start3A_175 = tpu.memref_slice %arg5[%dma_start3A_174] : memref<25600xi32, #tpu.memory_space<vmem>> -> memref<80xi32, #tpu.memory_space<vmem>>
    %dma_start3A_176 = arith.constant 0 : i32
    %dma_start3A_177 = arith.constant 0 : i32
    %dma_start3A_178 = tpu.memref_slice %arg3[%dma_start3A_176, %dma_start3A_177] : memref<2000000x64xf32, #tpu.memory_space<hbm>> -> memref<2000000x64xf32, #tpu.memory_space<hbm>>
    tpu.enqueue_indirect_dma source(%dma_start3A_178 : memref<2000000x64xf32, #tpu.memory_space<hbm>>) target(%dma_start3A_173 : memref<80x64xf32, #tpu.memory_space<vmem>>) offsets(%dma_start3A_175 : memref<80xi32, #tpu.memory_space<vmem>>) semaphore(%arg9 : memref<!tpu.dma_semaphore, #tpu.memory_space<semaphore_mem>>)
    %dma_start3A_179 = arith.constant 480 : i32
    %dma_start3A_180 = arith.constant 0 : i32
    %dma_start3A_181 = tpu.memref_slice %arg7[%dma_start3A_179, %dma_start3A_180] : memref<640x64xf32, #tpu.memory_space<vmem>> -> memref<80x64xf32, #tpu.memory_space<vmem>>
    %dma_start3A_182 = arith.constant 1120 : i32
    %dma_start3A_183 = tpu.memref_slice %arg5[%dma_start3A_182] : memref<25600xi32, #tpu.memory_space<vmem>> -> memref<80xi32, #tpu.memory_space<vmem>>
    %dma_start3A_184 = arith.constant 0 : i32
    %dma_start3A_185 = arith.constant 0 : i32
    %dma_start3A_186 = tpu.memref_slice %arg3[%dma_start3A_184, %dma_start3A_185] : memref<2000000x64xf32, #tpu.memory_space<hbm>> -> memref<2000000x64xf32, #tpu.memory_space<hbm>>
    tpu.enqueue_indirect_dma source(%dma_start3A_186 : memref<2000000x64xf32, #tpu.memory_space<hbm>>) target(%dma_start3A_181 : memref<80x64xf32, #tpu.memory_space<vmem>>) offsets(%dma_start3A_183 : memref<80xi32, #tpu.memory_space<vmem>>) semaphore(%arg9 : memref<!tpu.dma_semaphore, #tpu.memory_space<semaphore_mem>>)
    %dma_start3A_187 = arith.constant 560 : i32
    %dma_start3A_188 = arith.constant 0 : i32
    %dma_start3A_189 = tpu.memref_slice %arg7[%dma_start3A_187, %dma_start3A_188] : memref<640x64xf32, #tpu.memory_space<vmem>> -> memref<80x64xf32, #tpu.memory_space<vmem>>
    %dma_start3A_190 = arith.constant 1200 : i32
    %dma_start3A_191 = tpu.memref_slice %arg5[%dma_start3A_190] : memref<25600xi32, #tpu.memory_space<vmem>> -> memref<80xi32, #tpu.memory_space<vmem>>
    %dma_start3A_192 = arith.constant 0 : i32
    %dma_start3A_193 = arith.constant 0 : i32
    %dma_start3A_194 = tpu.memref_slice %arg3[%dma_start3A_192, %dma_start3A_193] : memref<2000000x64xf32, #tpu.memory_space<hbm>> -> memref<2000000x64xf32, #tpu.memory_space<hbm>>
    tpu.enqueue_indirect_dma source(%dma_start3A_194 : memref<2000000x64xf32, #tpu.memory_space<hbm>>) target(%dma_start3A_189 : memref<80x64xf32, #tpu.memory_space<vmem>>) offsets(%dma_start3A_191 : memref<80xi32, #tpu.memory_space<vmem>>) semaphore(%arg9 : memref<!tpu.dma_semaphore, #tpu.memory_space<semaphore_mem>>)
    %add3A_195 = arith.constant 0 : i32
    %add3A_196 = arith.addi %mul3A_2, %add3A_195 : i32
    %dma_start3A_197 = arith.constant 0 : i32
    %dma_start3A_198 = tpu.memref_slice %arg4[%add3A_196, %dma_start3A_197] : memref<819200x128xf32, #tpu.memory_space<hbm>> -> memref<640x64xf32, #tpu.memory_space<hbm>>
    %dma_start3A_199 = arith.constant 0 : i32
    %dma_start3A_200 = tpu.memref_slice %arg4[%add3A_196, %dma_start3A_199] : memref<819200x128xf32, #tpu.memory_space<hbm>> -> memref<640x64xf32, #tpu.memory_space<hbm>>
    tpu.enqueue_dma source(%arg6 : memref<640x64xf32, #tpu.memory_space<vmem>>) target(%dma_start3A_200 : memref<640x64xf32, #tpu.memory_space<hbm>>) target_semaphore(%arg10 : memref<!tpu.dma_semaphore, #tpu.memory_space<semaphore_mem>>)
    %scan3A = arith.constant 0 : i32
    %scan3A_201 = arith.constant 0 : i32
    %scan3A_202 = arith.constant 19 : i32
    %scan3A_203 = arith.addi %scan3A_201, %scan3A_202 : i32
    %scan3A_204 = arith.constant 1 : i32
    scf.for %scan3A_284 = %scan3A_201 to %scan3A_203 step %scan3A_204  : i32 {
      %dma_wait3A_285 = arith.constant 0 : i32
      %dma_wait3A_286 = tpu.memref_slice %arg4[%mul3A_2, %dma_wait3A_285] : memref<819200x128xf32, #tpu.memory_space<hbm>> -> memref<640x64xf32, #tpu.memory_space<hbm>>
      %dma_wait3A_287 = arith.constant 0 : i32
      %dma_wait3A_288 = tpu.memref_slice %arg4[%mul3A_2, %dma_wait3A_287] : memref<819200x128xf32, #tpu.memory_space<hbm>> -> memref<640x64xf32, #tpu.memory_space<hbm>>
      tpu.wait_dma2 semaphore(%arg10 : memref<!tpu.dma_semaphore, #tpu.memory_space<semaphore_mem>>) src(%arg6 : memref<640x64xf32, #tpu.memory_space<vmem>>) dst(%dma_wait3A_288 : memref<640x64xf32, #tpu.memory_space<hbm>>)
      %mul3A_289 = arith.constant 2 : i32
      %mul3A_290 = arith.muli %mul3A_289, %scan3A_284 : i32
      %add3A_291 = arith.constant 2 : i32
      %add3A_292 = arith.addi %mul3A_290, %add3A_291 : i32
      %mul3A_293 = arith.constant 640 : i32
      %mul3A_294 = arith.muli %add3A_292, %mul3A_293 : i32
      %add3A_295 = arith.constant 0 : i32
      %add3A_296 = arith.addi %mul3A_294, %add3A_295 : i32
      %dma_start3A_297 = arith.constant 0 : i32
      %dma_start3A_298 = arith.constant 0 : i32
      %dma_start3A_299 = tpu.memref_slice %arg6[%dma_start3A_297, %dma_start3A_298] : memref<640x64xf32, #tpu.memory_space<vmem>> -> memref<80x64xf32, #tpu.memory_space<vmem>>
      %dma_start3A_300 = tpu.memref_slice %arg5[%add3A_296] : memref<25600xi32, #tpu.memory_space<vmem>> -> memref<80xi32, #tpu.memory_space<vmem>>
      %dma_start3A_301 = arith.constant 0 : i32
      %dma_start3A_302 = arith.constant 0 : i32
      %dma_start3A_303 = tpu.memref_slice %arg3[%dma_start3A_301, %dma_start3A_302] : memref<2000000x64xf32, #tpu.memory_space<hbm>> -> memref<2000000x64xf32, #tpu.memory_space<hbm>>
      tpu.enqueue_indirect_dma source(%dma_start3A_303 : memref<2000000x64xf32, #tpu.memory_space<hbm>>) target(%dma_start3A_299 : memref<80x64xf32, #tpu.memory_space<vmem>>) offsets(%dma_start3A_300 : memref<80xi32, #tpu.memory_space<vmem>>) semaphore(%arg8 : memref<!tpu.dma_semaphore, #tpu.memory_space<semaphore_mem>>)
      %mul3A_304 = arith.constant 640 : i32
      %mul3A_305 = arith.muli %add3A_292, %mul3A_304 : i32
      %add3A_306 = arith.constant 80 : i32
      %add3A_307 = arith.addi %mul3A_305, %add3A_306 : i32
      %dma_start3A_308 = arith.constant 80 : i32
      %dma_start3A_309 = arith.constant 0 : i32
      %dma_start3A_310 = tpu.memref_slice %arg6[%dma_start3A_308, %dma_start3A_309] : memref<640x64xf32, #tpu.memory_space<vmem>> -> memref<80x64xf32, #tpu.memory_space<vmem>>
      %dma_start3A_311 = tpu.memref_slice %arg5[%add3A_307] : memref<25600xi32, #tpu.memory_space<vmem>> -> memref<80xi32, #tpu.memory_space<vmem>>
      %dma_start3A_312 = arith.constant 0 : i32
      %dma_start3A_313 = arith.constant 0 : i32
      %dma_start3A_314 = tpu.memref_slice %arg3[%dma_start3A_312, %dma_start3A_313] : memref<2000000x64xf32, #tpu.memory_space<hbm>> -> memref<2000000x64xf32, #tpu.memory_space<hbm>>
      tpu.enqueue_indirect_dma source(%dma_start3A_314 : memref<2000000x64xf32, #tpu.memory_space<hbm>>) target(%dma_start3A_310 : memref<80x64xf32, #tpu.memory_space<vmem>>) offsets(%dma_start3A_311 : memref<80xi32, #tpu.memory_space<vmem>>) semaphore(%arg8 : memref<!tpu.dma_semaphore, #tpu.memory_space<semaphore_mem>>)
      %mul3A_315 = arith.constant 640 : i32
      %mul3A_316 = arith.muli %add3A_292, %mul3A_315 : i32
      %add3A_317 = arith.constant 160 : i32
      %add3A_318 = arith.addi %mul3A_316, %add3A_317 : i32
      %dma_start3A_319 = arith.constant 160 : i32
      %dma_start3A_320 = arith.constant 0 : i32
      %dma_start3A_321 = tpu.memref_slice %arg6[%dma_start3A_319, %dma_start3A_320] : memref<640x64xf32, #tpu.memory_space<vmem>> -> memref<80x64xf32, #tpu.memory_space<vmem>>
      %dma_start3A_322 = tpu.memref_slice %arg5[%add3A_318] : memref<25600xi32, #tpu.memory_space<vmem>> -> memref<80xi32, #tpu.memory_space<vmem>>
      %dma_start3A_323 = arith.constant 0 : i32
      %dma_start3A_324 = arith.constant 0 : i32
      %dma_start3A_325 = tpu.memref_slice %arg3[%dma_start3A_323, %dma_start3A_324] : memref<2000000x64xf32, #tpu.memory_space<hbm>> -> memref<2000000x64xf32, #tpu.memory_space<hbm>>
      tpu.enqueue_indirect_dma source(%dma_start3A_325 : memref<2000000x64xf32, #tpu.memory_space<hbm>>) target(%dma_start3A_321 : memref<80x64xf32, #tpu.memory_space<vmem>>) offsets(%dma_start3A_322 : memref<80xi32, #tpu.memory_space<vmem>>) semaphore(%arg8 : memref<!tpu.dma_semaphore, #tpu.memory_space<semaphore_mem>>)
      %mul3A_326 = arith.constant 640 : i32
      %mul3A_327 = arith.muli %add3A_292, %mul3A_326 : i32
      %add3A_328 = arith.constant 240 : i32
      %add3A_329 = arith.addi %mul3A_327, %add3A_328 : i32
      %dma_start3A_330 = arith.constant 240 : i32
      %dma_start3A_331 = arith.constant 0 : i32
      %dma_start3A_332 = tpu.memref_slice %arg6[%dma_start3A_330, %dma_start3A_331] : memref<640x64xf32, #tpu.memory_space<vmem>> -> memref<80x64xf32, #tpu.memory_space<vmem>>
      %dma_start3A_333 = tpu.memref_slice %arg5[%add3A_329] : memref<25600xi32, #tpu.memory_space<vmem>> -> memref<80xi32, #tpu.memory_space<vmem>>
      %dma_start3A_334 = arith.constant 0 : i32
      %dma_start3A_335 = arith.constant 0 : i32
      %dma_start3A_336 = tpu.memref_slice %arg3[%dma_start3A_334, %dma_start3A_335] : memref<2000000x64xf32, #tpu.memory_space<hbm>> -> memref<2000000x64xf32, #tpu.memory_space<hbm>>
      tpu.enqueue_indirect_dma source(%dma_start3A_336 : memref<2000000x64xf32, #tpu.memory_space<hbm>>) target(%dma_start3A_332 : memref<80x64xf32, #tpu.memory_space<vmem>>) offsets(%dma_start3A_333 : memref<80xi32, #tpu.memory_space<vmem>>) semaphore(%arg8 : memref<!tpu.dma_semaphore, #tpu.memory_space<semaphore_mem>>)
      %mul3A_337 = arith.constant 640 : i32
      %mul3A_338 = arith.muli %add3A_292, %mul3A_337 : i32
      %add3A_339 = arith.constant 320 : i32
      %add3A_340 = arith.addi %mul3A_338, %add3A_339 : i32
      %dma_start3A_341 = arith.constant 320 : i32
      %dma_start3A_342 = arith.constant 0 : i32
      %dma_start3A_343 = tpu.memref_slice %arg6[%dma_start3A_341, %dma_start3A_342] : memref<640x64xf32, #tpu.memory_space<vmem>> -> memref<80x64xf32, #tpu.memory_space<vmem>>
      %dma_start3A_344 = tpu.memref_slice %arg5[%add3A_340] : memref<25600xi32, #tpu.memory_space<vmem>> -> memref<80xi32, #tpu.memory_space<vmem>>
      %dma_start3A_345 = arith.constant 0 : i32
      %dma_start3A_346 = arith.constant 0 : i32
      %dma_start3A_347 = tpu.memref_slice %arg3[%dma_start3A_345, %dma_start3A_346] : memref<2000000x64xf32, #tpu.memory_space<hbm>> -> memref<2000000x64xf32, #tpu.memory_space<hbm>>
      tpu.enqueue_indirect_dma source(%dma_start3A_347 : memref<2000000x64xf32, #tpu.memory_space<hbm>>) target(%dma_start3A_343 : memref<80x64xf32, #tpu.memory_space<vmem>>) offsets(%dma_start3A_344 : memref<80xi32, #tpu.memory_space<vmem>>) semaphore(%arg8 : memref<!tpu.dma_semaphore, #tpu.memory_space<semaphore_mem>>)
      %mul3A_348 = arith.constant 640 : i32
      %mul3A_349 = arith.muli %add3A_292, %mul3A_348 : i32
      %add3A_350 = arith.constant 400 : i32
      %add3A_351 = arith.addi %mul3A_349, %add3A_350 : i32
      %dma_start3A_352 = arith.constant 400 : i32
      %dma_start3A_353 = arith.constant 0 : i32
      %dma_start3A_354 = tpu.memref_slice %arg6[%dma_start3A_352, %dma_start3A_353] : memref<640x64xf32, #tpu.memory_space<vmem>> -> memref<80x64xf32, #tpu.memory_space<vmem>>
      %dma_start3A_355 = tpu.memref_slice %arg5[%add3A_351] : memref<25600xi32, #tpu.memory_space<vmem>> -> memref<80xi32, #tpu.memory_space<vmem>>
      %dma_start3A_356 = arith.constant 0 : i32
      %dma_start3A_357 = arith.constant 0 : i32
      %dma_start3A_358 = tpu.memref_slice %arg3[%dma_start3A_356, %dma_start3A_357] : memref<2000000x64xf32, #tpu.memory_space<hbm>> -> memref<2000000x64xf32, #tpu.memory_space<hbm>>
      tpu.enqueue_indirect_dma source(%dma_start3A_358 : memref<2000000x64xf32, #tpu.memory_space<hbm>>) target(%dma_start3A_354 : memref<80x64xf32, #tpu.memory_space<vmem>>) offsets(%dma_start3A_355 : memref<80xi32, #tpu.memory_space<vmem>>) semaphore(%arg8 : memref<!tpu.dma_semaphore, #tpu.memory_space<semaphore_mem>>)
      %mul3A_359 = arith.constant 640 : i32
      %mul3A_360 = arith.muli %add3A_292, %mul3A_359 : i32
      %add3A_361 = arith.constant 480 : i32
      %add3A_362 = arith.addi %mul3A_360, %add3A_361 : i32
      %dma_start3A_363 = arith.constant 480 : i32
      %dma_start3A_364 = arith.constant 0 : i32
      %dma_start3A_365 = tpu.memref_slice %arg6[%dma_start3A_363, %dma_start3A_364] : memref<640x64xf32, #tpu.memory_space<vmem>> -> memref<80x64xf32, #tpu.memory_space<vmem>>
      %dma_start3A_366 = tpu.memref_slice %arg5[%add3A_362] : memref<25600xi32, #tpu.memory_space<vmem>> -> memref<80xi32, #tpu.memory_space<vmem>>
      %dma_start3A_367 = arith.constant 0 : i32
      %dma_start3A_368 = arith.constant 0 : i32
      %dma_start3A_369 = tpu.memref_slice %arg3[%dma_start3A_367, %dma_start3A_368] : memref<2000000x64xf32, #tpu.memory_space<hbm>> -> memref<2000000x64xf32, #tpu.memory_space<hbm>>
      tpu.enqueue_indirect_dma source(%dma_start3A_369 : memref<2000000x64xf32, #tpu.memory_space<hbm>>) target(%dma_start3A_365 : memref<80x64xf32, #tpu.memory_space<vmem>>) offsets(%dma_start3A_366 : memref<80xi32, #tpu.memory_space<vmem>>) semaphore(%arg8 : memref<!tpu.dma_semaphore, #tpu.memory_space<semaphore_mem>>)
      %mul3A_370 = arith.constant 640 : i32
      %mul3A_371 = arith.muli %add3A_292, %mul3A_370 : i32
      %add3A_372 = arith.constant 560 : i32
      %add3A_373 = arith.addi %mul3A_371, %add3A_372 : i32
      %dma_start3A_374 = arith.constant 560 : i32
      %dma_start3A_375 = arith.constant 0 : i32
      %dma_start3A_376 = tpu.memref_slice %arg6[%dma_start3A_374, %dma_start3A_375] : memref<640x64xf32, #tpu.memory_space<vmem>> -> memref<80x64xf32, #tpu.memory_space<vmem>>
      %dma_start3A_377 = tpu.memref_slice %arg5[%add3A_373] : memref<25600xi32, #tpu.memory_space<vmem>> -> memref<80xi32, #tpu.memory_space<vmem>>
      %dma_start3A_378 = arith.constant 0 : i32
      %dma_start3A_379 = arith.constant 0 : i32
      %dma_start3A_380 = tpu.memref_slice %arg3[%dma_start3A_378, %dma_start3A_379] : memref<2000000x64xf32, #tpu.memory_space<hbm>> -> memref<2000000x64xf32, #tpu.memory_space<hbm>>
      tpu.enqueue_indirect_dma source(%dma_start3A_380 : memref<2000000x64xf32, #tpu.memory_space<hbm>>) target(%dma_start3A_376 : memref<80x64xf32, #tpu.memory_space<vmem>>) offsets(%dma_start3A_377 : memref<80xi32, #tpu.memory_space<vmem>>) semaphore(%arg8 : memref<!tpu.dma_semaphore, #tpu.memory_space<semaphore_mem>>)
      %dma_wait3A_381 = arith.constant 0 : i32
      %dma_wait3A_382 = arith.constant 0 : i32
      %dma_wait3A_383 = tpu.memref_slice %arg7[%dma_wait3A_381, %dma_wait3A_382] : memref<640x64xf32, #tpu.memory_space<vmem>> -> memref<80x64xf32, #tpu.memory_space<vmem>>
      %dma_wait3A_384 = arith.constant 0 : i32
      %dma_wait3A_385 = tpu.memref_slice %arg5[%dma_wait3A_384] : memref<25600xi32, #tpu.memory_space<vmem>> -> memref<80xi32, #tpu.memory_space<vmem>>
      %dma_wait3A_386 = arith.constant 0 : i32
      %dma_wait3A_387 = arith.constant 0 : i32
      %dma_wait3A_388 = tpu.memref_slice %arg3[%dma_wait3A_386, %dma_wait3A_387] : memref<2000000x64xf32, #tpu.memory_space<hbm>> -> memref<2000000x64xf32, #tpu.memory_space<hbm>>
      tpu.wait_indirect_dma semaphore(%arg9 : memref<!tpu.dma_semaphore, #tpu.memory_space<semaphore_mem>>) src(%dma_wait3A_388 : memref<2000000x64xf32, #tpu.memory_space<hbm>>) dst(%dma_wait3A_383 : memref<80x64xf32, #tpu.memory_space<vmem>>)
      %dma_wait3A_389 = arith.constant 80 : i32
      %dma_wait3A_390 = arith.constant 0 : i32
      %dma_wait3A_391 = tpu.memref_slice %arg7[%dma_wait3A_389, %dma_wait3A_390] : memref<640x64xf32, #tpu.memory_space<vmem>> -> memref<80x64xf32, #tpu.memory_space<vmem>>
      %dma_wait3A_392 = arith.constant 0 : i32
      %dma_wait3A_393 = tpu.memref_slice %arg5[%dma_wait3A_392] : memref<25600xi32, #tpu.memory_space<vmem>> -> memref<80xi32, #tpu.memory_space<vmem>>
      %dma_wait3A_394 = arith.constant 0 : i32
      %dma_wait3A_395 = arith.constant 0 : i32
      %dma_wait3A_396 = tpu.memref_slice %arg3[%dma_wait3A_394, %dma_wait3A_395] : memref<2000000x64xf32, #tpu.memory_space<hbm>> -> memref<2000000x64xf32, #tpu.memory_space<hbm>>
      tpu.wait_indirect_dma semaphore(%arg9 : memref<!tpu.dma_semaphore, #tpu.memory_space<semaphore_mem>>) src(%dma_wait3A_396 : memref<2000000x64xf32, #tpu.memory_space<hbm>>) dst(%dma_wait3A_391 : memref<80x64xf32, #tpu.memory_space<vmem>>)
      %dma_wait3A_397 = arith.constant 160 : i32
      %dma_wait3A_398 = arith.constant 0 : i32
      %dma_wait3A_399 = tpu.memref_slice %arg7[%dma_wait3A_397, %dma_wait3A_398] : memref<640x64xf32, #tpu.memory_space<vmem>> -> memref<80x64xf32, #tpu.memory_space<vmem>>
      %dma_wait3A_400 = arith.constant 0 : i32
      %dma_wait3A_401 = tpu.memref_slice %arg5[%dma_wait3A_400] : memref<25600xi32, #tpu.memory_space<vmem>> -> memref<80xi32, #tpu.memory_space<vmem>>
      %dma_wait3A_402 = arith.constant 0 : i32
      %dma_wait3A_403 = arith.constant 0 : i32
      %dma_wait3A_404 = tpu.memref_slice %arg3[%dma_wait3A_402, %dma_wait3A_403] : memref<2000000x64xf32, #tpu.memory_space<hbm>> -> memref<2000000x64xf32, #tpu.memory_space<hbm>>
      tpu.wait_indirect_dma semaphore(%arg9 : memref<!tpu.dma_semaphore, #tpu.memory_space<semaphore_mem>>) src(%dma_wait3A_404 : memref<2000000x64xf32, #tpu.memory_space<hbm>>) dst(%dma_wait3A_399 : memref<80x64xf32, #tpu.memory_space<vmem>>)
      %dma_wait3A_405 = arith.constant 240 : i32
      %dma_wait3A_406 = arith.constant 0 : i32
      %dma_wait3A_407 = tpu.memref_slice %arg7[%dma_wait3A_405, %dma_wait3A_406] : memref<640x64xf32, #tpu.memory_space<vmem>> -> memref<80x64xf32, #tpu.memory_space<vmem>>
      %dma_wait3A_408 = arith.constant 0 : i32
      %dma_wait3A_409 = tpu.memref_slice %arg5[%dma_wait3A_408] : memref<25600xi32, #tpu.memory_space<vmem>> -> memref<80xi32, #tpu.memory_space<vmem>>
      %dma_wait3A_410 = arith.constant 0 : i32
      %dma_wait3A_411 = arith.constant 0 : i32
      %dma_wait3A_412 = tpu.memref_slice %arg3[%dma_wait3A_410, %dma_wait3A_411] : memref<2000000x64xf32, #tpu.memory_space<hbm>> -> memref<2000000x64xf32, #tpu.memory_space<hbm>>
      tpu.wait_indirect_dma semaphore(%arg9 : memref<!tpu.dma_semaphore, #tpu.memory_space<semaphore_mem>>) src(%dma_wait3A_412 : memref<2000000x64xf32, #tpu.memory_space<hbm>>) dst(%dma_wait3A_407 : memref<80x64xf32, #tpu.memory_space<vmem>>)
      %dma_wait3A_413 = arith.constant 320 : i32
      %dma_wait3A_414 = arith.constant 0 : i32
      %dma_wait3A_415 = tpu.memref_slice %arg7[%dma_wait3A_413, %dma_wait3A_414] : memref<640x64xf32, #tpu.memory_space<vmem>> -> memref<80x64xf32, #tpu.memory_space<vmem>>
      %dma_wait3A_416 = arith.constant 0 : i32
      %dma_wait3A_417 = tpu.memref_slice %arg5[%dma_wait3A_416] : memref<25600xi32, #tpu.memory_space<vmem>> -> memref<80xi32, #tpu.memory_space<vmem>>
      %dma_wait3A_418 = arith.constant 0 : i32
      %dma_wait3A_419 = arith.constant 0 : i32
      %dma_wait3A_420 = tpu.memref_slice %arg3[%dma_wait3A_418, %dma_wait3A_419] : memref<2000000x64xf32, #tpu.memory_space<hbm>> -> memref<2000000x64xf32, #tpu.memory_space<hbm>>
      tpu.wait_indirect_dma semaphore(%arg9 : memref<!tpu.dma_semaphore, #tpu.memory_space<semaphore_mem>>) src(%dma_wait3A_420 : memref<2000000x64xf32, #tpu.memory_space<hbm>>) dst(%dma_wait3A_415 : memref<80x64xf32, #tpu.memory_space<vmem>>)
      %dma_wait3A_421 = arith.constant 400 : i32
      %dma_wait3A_422 = arith.constant 0 : i32
      %dma_wait3A_423 = tpu.memref_slice %arg7[%dma_wait3A_421, %dma_wait3A_422] : memref<640x64xf32, #tpu.memory_space<vmem>> -> memref<80x64xf32, #tpu.memory_space<vmem>>
      %dma_wait3A_424 = arith.constant 0 : i32
      %dma_wait3A_425 = tpu.memref_slice %arg5[%dma_wait3A_424] : memref<25600xi32, #tpu.memory_space<vmem>> -> memref<80xi32, #tpu.memory_space<vmem>>
      %dma_wait3A_426 = arith.constant 0 : i32
      %dma_wait3A_427 = arith.constant 0 : i32
      %dma_wait3A_428 = tpu.memref_slice %arg3[%dma_wait3A_426, %dma_wait3A_427] : memref<2000000x64xf32, #tpu.memory_space<hbm>> -> memref<2000000x64xf32, #tpu.memory_space<hbm>>
      tpu.wait_indirect_dma semaphore(%arg9 : memref<!tpu.dma_semaphore, #tpu.memory_space<semaphore_mem>>) src(%dma_wait3A_428 : memref<2000000x64xf32, #tpu.memory_space<hbm>>) dst(%dma_wait3A_423 : memref<80x64xf32, #tpu.memory_space<vmem>>)
      %dma_wait3A_429 = arith.constant 480 : i32
      %dma_wait3A_430 = arith.constant 0 : i32
      %dma_wait3A_431 = tpu.memref_slice %arg7[%dma_wait3A_429, %dma_wait3A_430] : memref<640x64xf32, #tpu.memory_space<vmem>> -> memref<80x64xf32, #tpu.memory_space<vmem>>
      %dma_wait3A_432 = arith.constant 0 : i32
      %dma_wait3A_433 = tpu.memref_slice %arg5[%dma_wait3A_432] : memref<25600xi32, #tpu.memory_space<vmem>> -> memref<80xi32, #tpu.memory_space<vmem>>
      %dma_wait3A_434 = arith.constant 0 : i32
      %dma_wait3A_435 = arith.constant 0 : i32
      %dma_wait3A_436 = tpu.memref_slice %arg3[%dma_wait3A_434, %dma_wait3A_435] : memref<2000000x64xf32, #tpu.memory_space<hbm>> -> memref<2000000x64xf32, #tpu.memory_space<hbm>>
      tpu.wait_indirect_dma semaphore(%arg9 : memref<!tpu.dma_semaphore, #tpu.memory_space<semaphore_mem>>) src(%dma_wait3A_436 : memref<2000000x64xf32, #tpu.memory_space<hbm>>) dst(%dma_wait3A_431 : memref<80x64xf32, #tpu.memory_space<vmem>>)
      %dma_wait3A_437 = arith.constant 560 : i32
      %dma_wait3A_438 = arith.constant 0 : i32
      %dma_wait3A_439 = tpu.memref_slice %arg7[%dma_wait3A_437, %dma_wait3A_438] : memref<640x64xf32, #tpu.memory_space<vmem>> -> memref<80x64xf32, #tpu.memory_space<vmem>>
      %dma_wait3A_440 = arith.constant 0 : i32
      %dma_wait3A_441 = tpu.memref_slice %arg5[%dma_wait3A_440] : memref<25600xi32, #tpu.memory_space<vmem>> -> memref<80xi32, #tpu.memory_space<vmem>>
      %dma_wait3A_442 = arith.constant 0 : i32
      %dma_wait3A_443 = arith.constant 0 : i32
      %dma_wait3A_444 = tpu.memref_slice %arg3[%dma_wait3A_442, %dma_wait3A_443] : memref<2000000x64xf32, #tpu.memory_space<hbm>> -> memref<2000000x64xf32, #tpu.memory_space<hbm>>
      tpu.wait_indirect_dma semaphore(%arg9 : memref<!tpu.dma_semaphore, #tpu.memory_space<semaphore_mem>>) src(%dma_wait3A_444 : memref<2000000x64xf32, #tpu.memory_space<hbm>>) dst(%dma_wait3A_439 : memref<80x64xf32, #tpu.memory_space<vmem>>)
      %mul3A_445 = arith.constant 2 : i32
      %mul3A_446 = arith.muli %mul3A_445, %scan3A_284 : i32
      %add3A_447 = arith.constant 1 : i32
      %add3A_448 = arith.addi %mul3A_446, %add3A_447 : i32
      %mul3A_449 = arith.constant 640 : i32
      %mul3A_450 = arith.muli %add3A_448, %mul3A_449 : i32
      %add3A_451 = arith.addi %mul3A_2, %mul3A_450 : i32
      %dma_start3A_452 = arith.constant 0 : i32
      %dma_start3A_453 = tpu.memref_slice %arg4[%add3A_451, %dma_start3A_452] : memref<819200x128xf32, #tpu.memory_space<hbm>> -> memref<640x64xf32, #tpu.memory_space<hbm>>
      %dma_start3A_454 = arith.constant 0 : i32
      %dma_start3A_455 = tpu.memref_slice %arg4[%add3A_451, %dma_start3A_454] : memref<819200x128xf32, #tpu.memory_space<hbm>> -> memref<640x64xf32, #tpu.memory_space<hbm>>
      tpu.enqueue_dma source(%arg7 : memref<640x64xf32, #tpu.memory_space<vmem>>) target(%dma_start3A_455 : memref<640x64xf32, #tpu.memory_space<hbm>>) target_semaphore(%arg11 : memref<!tpu.dma_semaphore, #tpu.memory_space<semaphore_mem>>)
      %dma_wait3A_456 = arith.constant 0 : i32
      %dma_wait3A_457 = tpu.memref_slice %arg4[%mul3A_2, %dma_wait3A_456] : memref<819200x128xf32, #tpu.memory_space<hbm>> -> memref<640x64xf32, #tpu.memory_space<hbm>>
      %dma_wait3A_458 = arith.constant 0 : i32
      %dma_wait3A_459 = tpu.memref_slice %arg4[%mul3A_2, %dma_wait3A_458] : memref<819200x128xf32, #tpu.memory_space<hbm>> -> memref<640x64xf32, #tpu.memory_space<hbm>>
      tpu.wait_dma2 semaphore(%arg11 : memref<!tpu.dma_semaphore, #tpu.memory_space<semaphore_mem>>) src(%arg7 : memref<640x64xf32, #tpu.memory_space<vmem>>) dst(%dma_wait3A_459 : memref<640x64xf32, #tpu.memory_space<hbm>>)
      %mul3A_460 = arith.constant 2 : i32
      %mul3A_461 = arith.muli %mul3A_460, %scan3A_284 : i32
      %add3A_462 = arith.constant 3 : i32
      %add3A_463 = arith.addi %mul3A_461, %add3A_462 : i32
      %mul3A_464 = arith.constant 640 : i32
      %mul3A_465 = arith.muli %add3A_463, %mul3A_464 : i32
      %add3A_466 = arith.constant 0 : i32
      %add3A_467 = arith.addi %mul3A_465, %add3A_466 : i32
      %dma_start3A_468 = arith.constant 0 : i32
      %dma_start3A_469 = arith.constant 0 : i32
      %dma_start3A_470 = tpu.memref_slice %arg7[%dma_start3A_468, %dma_start3A_469] : memref<640x64xf32, #tpu.memory_space<vmem>> -> memref<80x64xf32, #tpu.memory_space<vmem>>
      %dma_start3A_471 = tpu.memref_slice %arg5[%add3A_467] : memref<25600xi32, #tpu.memory_space<vmem>> -> memref<80xi32, #tpu.memory_space<vmem>>
      %dma_start3A_472 = arith.constant 0 : i32
      %dma_start3A_473 = arith.constant 0 : i32
      %dma_start3A_474 = tpu.memref_slice %arg3[%dma_start3A_472, %dma_start3A_473] : memref<2000000x64xf32, #tpu.memory_space<hbm>> -> memref<2000000x64xf32, #tpu.memory_space<hbm>>
      tpu.enqueue_indirect_dma source(%dma_start3A_474 : memref<2000000x64xf32, #tpu.memory_space<hbm>>) target(%dma_start3A_470 : memref<80x64xf32, #tpu.memory_space<vmem>>) offsets(%dma_start3A_471 : memref<80xi32, #tpu.memory_space<vmem>>) semaphore(%arg9 : memref<!tpu.dma_semaphore, #tpu.memory_space<semaphore_mem>>)
      %mul3A_475 = arith.constant 640 : i32
      %mul3A_476 = arith.muli %add3A_463, %mul3A_475 : i32
      %add3A_477 = arith.constant 80 : i32
      %add3A_478 = arith.addi %mul3A_476, %add3A_477 : i32
      %dma_start3A_479 = arith.constant 80 : i32
      %dma_start3A_480 = arith.constant 0 : i32
      %dma_start3A_481 = tpu.memref_slice %arg7[%dma_start3A_479, %dma_start3A_480] : memref<640x64xf32, #tpu.memory_space<vmem>> -> memref<80x64xf32, #tpu.memory_space<vmem>>
      %dma_start3A_482 = tpu.memref_slice %arg5[%add3A_478] : memref<25600xi32, #tpu.memory_space<vmem>> -> memref<80xi32, #tpu.memory_space<vmem>>
      %dma_start3A_483 = arith.constant 0 : i32
      %dma_start3A_484 = arith.constant 0 : i32
      %dma_start3A_485 = tpu.memref_slice %arg3[%dma_start3A_483, %dma_start3A_484] : memref<2000000x64xf32, #tpu.memory_space<hbm>> -> memref<2000000x64xf32, #tpu.memory_space<hbm>>
      tpu.enqueue_indirect_dma source(%dma_start3A_485 : memref<2000000x64xf32, #tpu.memory_space<hbm>>) target(%dma_start3A_481 : memref<80x64xf32, #tpu.memory_space<vmem>>) offsets(%dma_start3A_482 : memref<80xi32, #tpu.memory_space<vmem>>) semaphore(%arg9 : memref<!tpu.dma_semaphore, #tpu.memory_space<semaphore_mem>>)
      %mul3A_486 = arith.constant 640 : i32
      %mul3A_487 = arith.muli %add3A_463, %mul3A_486 : i32
      %add3A_488 = arith.constant 160 : i32
      %add3A_489 = arith.addi %mul3A_487, %add3A_488 : i32
      %dma_start3A_490 = arith.constant 160 : i32
      %dma_start3A_491 = arith.constant 0 : i32
      %dma_start3A_492 = tpu.memref_slice %arg7[%dma_start3A_490, %dma_start3A_491] : memref<640x64xf32, #tpu.memory_space<vmem>> -> memref<80x64xf32, #tpu.memory_space<vmem>>
      %dma_start3A_493 = tpu.memref_slice %arg5[%add3A_489] : memref<25600xi32, #tpu.memory_space<vmem>> -> memref<80xi32, #tpu.memory_space<vmem>>
      %dma_start3A_494 = arith.constant 0 : i32
      %dma_start3A_495 = arith.constant 0 : i32
      %dma_start3A_496 = tpu.memref_slice %arg3[%dma_start3A_494, %dma_start3A_495] : memref<2000000x64xf32, #tpu.memory_space<hbm>> -> memref<2000000x64xf32, #tpu.memory_space<hbm>>
      tpu.enqueue_indirect_dma source(%dma_start3A_496 : memref<2000000x64xf32, #tpu.memory_space<hbm>>) target(%dma_start3A_492 : memref<80x64xf32, #tpu.memory_space<vmem>>) offsets(%dma_start3A_493 : memref<80xi32, #tpu.memory_space<vmem>>) semaphore(%arg9 : memref<!tpu.dma_semaphore, #tpu.memory_space<semaphore_mem>>)
      %mul3A_497 = arith.constant 640 : i32
      %mul3A_498 = arith.muli %add3A_463, %mul3A_497 : i32
      %add3A_499 = arith.constant 240 : i32
      %add3A_500 = arith.addi %mul3A_498, %add3A_499 : i32
      %dma_start3A_501 = arith.constant 240 : i32
      %dma_start3A_502 = arith.constant 0 : i32
      %dma_start3A_503 = tpu.memref_slice %arg7[%dma_start3A_501, %dma_start3A_502] : memref<640x64xf32, #tpu.memory_space<vmem>> -> memref<80x64xf32, #tpu.memory_space<vmem>>
      %dma_start3A_504 = tpu.memref_slice %arg5[%add3A_500] : memref<25600xi32, #tpu.memory_space<vmem>> -> memref<80xi32, #tpu.memory_space<vmem>>
      %dma_start3A_505 = arith.constant 0 : i32
      %dma_start3A_506 = arith.constant 0 : i32
      %dma_start3A_507 = tpu.memref_slice %arg3[%dma_start3A_505, %dma_start3A_506] : memref<2000000x64xf32, #tpu.memory_space<hbm>> -> memref<2000000x64xf32, #tpu.memory_space<hbm>>
      tpu.enqueue_indirect_dma source(%dma_start3A_507 : memref<2000000x64xf32, #tpu.memory_space<hbm>>) target(%dma_start3A_503 : memref<80x64xf32, #tpu.memory_space<vmem>>) offsets(%dma_start3A_504 : memref<80xi32, #tpu.memory_space<vmem>>) semaphore(%arg9 : memref<!tpu.dma_semaphore, #tpu.memory_space<semaphore_mem>>)
      %mul3A_508 = arith.constant 640 : i32
      %mul3A_509 = arith.muli %add3A_463, %mul3A_508 : i32
      %add3A_510 = arith.constant 320 : i32
      %add3A_511 = arith.addi %mul3A_509, %add3A_510 : i32
      %dma_start3A_512 = arith.constant 320 : i32
      %dma_start3A_513 = arith.constant 0 : i32
      %dma_start3A_514 = tpu.memref_slice %arg7[%dma_start3A_512, %dma_start3A_513] : memref<640x64xf32, #tpu.memory_space<vmem>> -> memref<80x64xf32, #tpu.memory_space<vmem>>
      %dma_start3A_515 = tpu.memref_slice %arg5[%add3A_511] : memref<25600xi32, #tpu.memory_space<vmem>> -> memref<80xi32, #tpu.memory_space<vmem>>
      %dma_start3A_516 = arith.constant 0 : i32
      %dma_start3A_517 = arith.constant 0 : i32
      %dma_start3A_518 = tpu.memref_slice %arg3[%dma_start3A_516, %dma_start3A_517] : memref<2000000x64xf32, #tpu.memory_space<hbm>> -> memref<2000000x64xf32, #tpu.memory_space<hbm>>
      tpu.enqueue_indirect_dma source(%dma_start3A_518 : memref<2000000x64xf32, #tpu.memory_space<hbm>>) target(%dma_start3A_514 : memref<80x64xf32, #tpu.memory_space<vmem>>) offsets(%dma_start3A_515 : memref<80xi32, #tpu.memory_space<vmem>>) semaphore(%arg9 : memref<!tpu.dma_semaphore, #tpu.memory_space<semaphore_mem>>)
      %mul3A_519 = arith.constant 640 : i32
      %mul3A_520 = arith.muli %add3A_463, %mul3A_519 : i32
      %add3A_521 = arith.constant 400 : i32
      %add3A_522 = arith.addi %mul3A_520, %add3A_521 : i32
      %dma_start3A_523 = arith.constant 400 : i32
      %dma_start3A_524 = arith.constant 0 : i32
      %dma_start3A_525 = tpu.memref_slice %arg7[%dma_start3A_523, %dma_start3A_524] : memref<640x64xf32, #tpu.memory_space<vmem>> -> memref<80x64xf32, #tpu.memory_space<vmem>>
      %dma_start3A_526 = tpu.memref_slice %arg5[%add3A_522] : memref<25600xi32, #tpu.memory_space<vmem>> -> memref<80xi32, #tpu.memory_space<vmem>>
      %dma_start3A_527 = arith.constant 0 : i32
      %dma_start3A_528 = arith.constant 0 : i32
      %dma_start3A_529 = tpu.memref_slice %arg3[%dma_start3A_527, %dma_start3A_528] : memref<2000000x64xf32, #tpu.memory_space<hbm>> -> memref<2000000x64xf32, #tpu.memory_space<hbm>>
      tpu.enqueue_indirect_dma source(%dma_start3A_529 : memref<2000000x64xf32, #tpu.memory_space<hbm>>) target(%dma_start3A_525 : memref<80x64xf32, #tpu.memory_space<vmem>>) offsets(%dma_start3A_526 : memref<80xi32, #tpu.memory_space<vmem>>) semaphore(%arg9 : memref<!tpu.dma_semaphore, #tpu.memory_space<semaphore_mem>>)
      %mul3A_530 = arith.constant 640 : i32
      %mul3A_531 = arith.muli %add3A_463, %mul3A_530 : i32
      %add3A_532 = arith.constant 480 : i32
      %add3A_533 = arith.addi %mul3A_531, %add3A_532 : i32
      %dma_start3A_534 = arith.constant 480 : i32
      %dma_start3A_535 = arith.constant 0 : i32
      %dma_start3A_536 = tpu.memref_slice %arg7[%dma_start3A_534, %dma_start3A_535] : memref<640x64xf32, #tpu.memory_space<vmem>> -> memref<80x64xf32, #tpu.memory_space<vmem>>
      %dma_start3A_537 = tpu.memref_slice %arg5[%add3A_533] : memref<25600xi32, #tpu.memory_space<vmem>> -> memref<80xi32, #tpu.memory_space<vmem>>
      %dma_start3A_538 = arith.constant 0 : i32
      %dma_start3A_539 = arith.constant 0 : i32
      %dma_start3A_540 = tpu.memref_slice %arg3[%dma_start3A_538, %dma_start3A_539] : memref<2000000x64xf32, #tpu.memory_space<hbm>> -> memref<2000000x64xf32, #tpu.memory_space<hbm>>
      tpu.enqueue_indirect_dma source(%dma_start3A_540 : memref<2000000x64xf32, #tpu.memory_space<hbm>>) target(%dma_start3A_536 : memref<80x64xf32, #tpu.memory_space<vmem>>) offsets(%dma_start3A_537 : memref<80xi32, #tpu.memory_space<vmem>>) semaphore(%arg9 : memref<!tpu.dma_semaphore, #tpu.memory_space<semaphore_mem>>)
      %mul3A_541 = arith.constant 640 : i32
      %mul3A_542 = arith.muli %add3A_463, %mul3A_541 : i32
      %add3A_543 = arith.constant 560 : i32
      %add3A_544 = arith.addi %mul3A_542, %add3A_543 : i32
      %dma_start3A_545 = arith.constant 560 : i32
      %dma_start3A_546 = arith.constant 0 : i32
      %dma_start3A_547 = tpu.memref_slice %arg7[%dma_start3A_545, %dma_start3A_546] : memref<640x64xf32, #tpu.memory_space<vmem>> -> memref<80x64xf32, #tpu.memory_space<vmem>>
      %dma_start3A_548 = tpu.memref_slice %arg5[%add3A_544] : memref<25600xi32, #tpu.memory_space<vmem>> -> memref<80xi32, #tpu.memory_space<vmem>>
      %dma_start3A_549 = arith.constant 0 : i32
      %dma_start3A_550 = arith.constant 0 : i32
      %dma_start3A_551 = tpu.memref_slice %arg3[%dma_start3A_549, %dma_start3A_550] : memref<2000000x64xf32, #tpu.memory_space<hbm>> -> memref<2000000x64xf32, #tpu.memory_space<hbm>>
      tpu.enqueue_indirect_dma source(%dma_start3A_551 : memref<2000000x64xf32, #tpu.memory_space<hbm>>) target(%dma_start3A_547 : memref<80x64xf32, #tpu.memory_space<vmem>>) offsets(%dma_start3A_548 : memref<80xi32, #tpu.memory_space<vmem>>) semaphore(%arg9 : memref<!tpu.dma_semaphore, #tpu.memory_space<semaphore_mem>>)
      %dma_wait3A_552 = arith.constant 0 : i32
      %dma_wait3A_553 = arith.constant 0 : i32
      %dma_wait3A_554 = tpu.memref_slice %arg6[%dma_wait3A_552, %dma_wait3A_553] : memref<640x64xf32, #tpu.memory_space<vmem>> -> memref<80x64xf32, #tpu.memory_space<vmem>>
      %dma_wait3A_555 = arith.constant 0 : i32
      %dma_wait3A_556 = tpu.memref_slice %arg5[%dma_wait3A_555] : memref<25600xi32, #tpu.memory_space<vmem>> -> memref<80xi32, #tpu.memory_space<vmem>>
      %dma_wait3A_557 = arith.constant 0 : i32
      %dma_wait3A_558 = arith.constant 0 : i32
      %dma_wait3A_559 = tpu.memref_slice %arg3[%dma_wait3A_557, %dma_wait3A_558] : memref<2000000x64xf32, #tpu.memory_space<hbm>> -> memref<2000000x64xf32, #tpu.memory_space<hbm>>
      tpu.wait_indirect_dma semaphore(%arg8 : memref<!tpu.dma_semaphore, #tpu.memory_space<semaphore_mem>>) src(%dma_wait3A_559 : memref<2000000x64xf32, #tpu.memory_space<hbm>>) dst(%dma_wait3A_554 : memref<80x64xf32, #tpu.memory_space<vmem>>)
      %dma_wait3A_560 = arith.constant 80 : i32
      %dma_wait3A_561 = arith.constant 0 : i32
      %dma_wait3A_562 = tpu.memref_slice %arg6[%dma_wait3A_560, %dma_wait3A_561] : memref<640x64xf32, #tpu.memory_space<vmem>> -> memref<80x64xf32, #tpu.memory_space<vmem>>
      %dma_wait3A_563 = arith.constant 0 : i32
      %dma_wait3A_564 = tpu.memref_slice %arg5[%dma_wait3A_563] : memref<25600xi32, #tpu.memory_space<vmem>> -> memref<80xi32, #tpu.memory_space<vmem>>
      %dma_wait3A_565 = arith.constant 0 : i32
      %dma_wait3A_566 = arith.constant 0 : i32
      %dma_wait3A_567 = tpu.memref_slice %arg3[%dma_wait3A_565, %dma_wait3A_566] : memref<2000000x64xf32, #tpu.memory_space<hbm>> -> memref<2000000x64xf32, #tpu.memory_space<hbm>>
      tpu.wait_indirect_dma semaphore(%arg8 : memref<!tpu.dma_semaphore, #tpu.memory_space<semaphore_mem>>) src(%dma_wait3A_567 : memref<2000000x64xf32, #tpu.memory_space<hbm>>) dst(%dma_wait3A_562 : memref<80x64xf32, #tpu.memory_space<vmem>>)
      %dma_wait3A_568 = arith.constant 160 : i32
      %dma_wait3A_569 = arith.constant 0 : i32
      %dma_wait3A_570 = tpu.memref_slice %arg6[%dma_wait3A_568, %dma_wait3A_569] : memref<640x64xf32, #tpu.memory_space<vmem>> -> memref<80x64xf32, #tpu.memory_space<vmem>>
      %dma_wait3A_571 = arith.constant 0 : i32
      %dma_wait3A_572 = tpu.memref_slice %arg5[%dma_wait3A_571] : memref<25600xi32, #tpu.memory_space<vmem>> -> memref<80xi32, #tpu.memory_space<vmem>>
      %dma_wait3A_573 = arith.constant 0 : i32
      %dma_wait3A_574 = arith.constant 0 : i32
      %dma_wait3A_575 = tpu.memref_slice %arg3[%dma_wait3A_573, %dma_wait3A_574] : memref<2000000x64xf32, #tpu.memory_space<hbm>> -> memref<2000000x64xf32, #tpu.memory_space<hbm>>
      tpu.wait_indirect_dma semaphore(%arg8 : memref<!tpu.dma_semaphore, #tpu.memory_space<semaphore_mem>>) src(%dma_wait3A_575 : memref<2000000x64xf32, #tpu.memory_space<hbm>>) dst(%dma_wait3A_570 : memref<80x64xf32, #tpu.memory_space<vmem>>)
      %dma_wait3A_576 = arith.constant 240 : i32
      %dma_wait3A_577 = arith.constant 0 : i32
      %dma_wait3A_578 = tpu.memref_slice %arg6[%dma_wait3A_576, %dma_wait3A_577] : memref<640x64xf32, #tpu.memory_space<vmem>> -> memref<80x64xf32, #tpu.memory_space<vmem>>
      %dma_wait3A_579 = arith.constant 0 : i32
      %dma_wait3A_580 = tpu.memref_slice %arg5[%dma_wait3A_579] : memref<25600xi32, #tpu.memory_space<vmem>> -> memref<80xi32, #tpu.memory_space<vmem>>
      %dma_wait3A_581 = arith.constant 0 : i32
      %dma_wait3A_582 = arith.constant 0 : i32
      %dma_wait3A_583 = tpu.memref_slice %arg3[%dma_wait3A_581, %dma_wait3A_582] : memref<2000000x64xf32, #tpu.memory_space<hbm>> -> memref<2000000x64xf32, #tpu.memory_space<hbm>>
      tpu.wait_indirect_dma semaphore(%arg8 : memref<!tpu.dma_semaphore, #tpu.memory_space<semaphore_mem>>) src(%dma_wait3A_583 : memref<2000000x64xf32, #tpu.memory_space<hbm>>) dst(%dma_wait3A_578 : memref<80x64xf32, #tpu.memory_space<vmem>>)
      %dma_wait3A_584 = arith.constant 320 : i32
      %dma_wait3A_585 = arith.constant 0 : i32
      %dma_wait3A_586 = tpu.memref_slice %arg6[%dma_wait3A_584, %dma_wait3A_585] : memref<640x64xf32, #tpu.memory_space<vmem>> -> memref<80x64xf32, #tpu.memory_space<vmem>>
      %dma_wait3A_587 = arith.constant 0 : i32
      %dma_wait3A_588 = tpu.memref_slice %arg5[%dma_wait3A_587] : memref<25600xi32, #tpu.memory_space<vmem>> -> memref<80xi32, #tpu.memory_space<vmem>>
      %dma_wait3A_589 = arith.constant 0 : i32
      %dma_wait3A_590 = arith.constant 0 : i32
      %dma_wait3A_591 = tpu.memref_slice %arg3[%dma_wait3A_589, %dma_wait3A_590] : memref<2000000x64xf32, #tpu.memory_space<hbm>> -> memref<2000000x64xf32, #tpu.memory_space<hbm>>
      tpu.wait_indirect_dma semaphore(%arg8 : memref<!tpu.dma_semaphore, #tpu.memory_space<semaphore_mem>>) src(%dma_wait3A_591 : memref<2000000x64xf32, #tpu.memory_space<hbm>>) dst(%dma_wait3A_586 : memref<80x64xf32, #tpu.memory_space<vmem>>)
      %dma_wait3A_592 = arith.constant 400 : i32
      %dma_wait3A_593 = arith.constant 0 : i32
      %dma_wait3A_594 = tpu.memref_slice %arg6[%dma_wait3A_592, %dma_wait3A_593] : memref<640x64xf32, #tpu.memory_space<vmem>> -> memref<80x64xf32, #tpu.memory_space<vmem>>
      %dma_wait3A_595 = arith.constant 0 : i32
      %dma_wait3A_596 = tpu.memref_slice %arg5[%dma_wait3A_595] : memref<25600xi32, #tpu.memory_space<vmem>> -> memref<80xi32, #tpu.memory_space<vmem>>
      %dma_wait3A_597 = arith.constant 0 : i32
      %dma_wait3A_598 = arith.constant 0 : i32
      %dma_wait3A_599 = tpu.memref_slice %arg3[%dma_wait3A_597, %dma_wait3A_598] : memref<2000000x64xf32, #tpu.memory_space<hbm>> -> memref<2000000x64xf32, #tpu.memory_space<hbm>>
      tpu.wait_indirect_dma semaphore(%arg8 : memref<!tpu.dma_semaphore, #tpu.memory_space<semaphore_mem>>) src(%dma_wait3A_599 : memref<2000000x64xf32, #tpu.memory_space<hbm>>) dst(%dma_wait3A_594 : memref<80x64xf32, #tpu.memory_space<vmem>>)
      %dma_wait3A_600 = arith.constant 480 : i32
      %dma_wait3A_601 = arith.constant 0 : i32
      %dma_wait3A_602 = tpu.memref_slice %arg6[%dma_wait3A_600, %dma_wait3A_601] : memref<640x64xf32, #tpu.memory_space<vmem>> -> memref<80x64xf32, #tpu.memory_space<vmem>>
      %dma_wait3A_603 = arith.constant 0 : i32
      %dma_wait3A_604 = tpu.memref_slice %arg5[%dma_wait3A_603] : memref<25600xi32, #tpu.memory_space<vmem>> -> memref<80xi32, #tpu.memory_space<vmem>>
      %dma_wait3A_605 = arith.constant 0 : i32
      %dma_wait3A_606 = arith.constant 0 : i32
      %dma_wait3A_607 = tpu.memref_slice %arg3[%dma_wait3A_605, %dma_wait3A_606] : memref<2000000x64xf32, #tpu.memory_space<hbm>> -> memref<2000000x64xf32, #tpu.memory_space<hbm>>
      tpu.wait_indirect_dma semaphore(%arg8 : memref<!tpu.dma_semaphore, #tpu.memory_space<semaphore_mem>>) src(%dma_wait3A_607 : memref<2000000x64xf32, #tpu.memory_space<hbm>>) dst(%dma_wait3A_602 : memref<80x64xf32, #tpu.memory_space<vmem>>)
      %dma_wait3A_608 = arith.constant 560 : i32
      %dma_wait3A_609 = arith.constant 0 : i32
      %dma_wait3A_610 = tpu.memref_slice %arg6[%dma_wait3A_608, %dma_wait3A_609] : memref<640x64xf32, #tpu.memory_space<vmem>> -> memref<80x64xf32, #tpu.memory_space<vmem>>
      %dma_wait3A_611 = arith.constant 0 : i32
      %dma_wait3A_612 = tpu.memref_slice %arg5[%dma_wait3A_611] : memref<25600xi32, #tpu.memory_space<vmem>> -> memref<80xi32, #tpu.memory_space<vmem>>
      %dma_wait3A_613 = arith.constant 0 : i32
      %dma_wait3A_614 = arith.constant 0 : i32
      %dma_wait3A_615 = tpu.memref_slice %arg3[%dma_wait3A_613, %dma_wait3A_614] : memref<2000000x64xf32, #tpu.memory_space<hbm>> -> memref<2000000x64xf32, #tpu.memory_space<hbm>>
      tpu.wait_indirect_dma semaphore(%arg8 : memref<!tpu.dma_semaphore, #tpu.memory_space<semaphore_mem>>) src(%dma_wait3A_615 : memref<2000000x64xf32, #tpu.memory_space<hbm>>) dst(%dma_wait3A_610 : memref<80x64xf32, #tpu.memory_space<vmem>>)
      %mul3A_616 = arith.constant 2 : i32
      %mul3A_617 = arith.muli %mul3A_616, %scan3A_284 : i32
      %add3A_618 = arith.constant 2 : i32
      %add3A_619 = arith.addi %mul3A_617, %add3A_618 : i32
      %mul3A_620 = arith.constant 640 : i32
      %mul3A_621 = arith.muli %add3A_619, %mul3A_620 : i32
      %add3A_622 = arith.addi %mul3A_2, %mul3A_621 : i32
      %dma_start3A_623 = arith.constant 0 : i32
      %dma_start3A_624 = tpu.memref_slice %arg4[%add3A_622, %dma_start3A_623] : memref<819200x128xf32, #tpu.memory_space<hbm>> -> memref<640x64xf32, #tpu.memory_space<hbm>>
      %dma_start3A_625 = arith.constant 0 : i32
      %dma_start3A_626 = tpu.memref_slice %arg4[%add3A_622, %dma_start3A_625] : memref<819200x128xf32, #tpu.memory_space<hbm>> -> memref<640x64xf32, #tpu.memory_space<hbm>>
      tpu.enqueue_dma source(%arg6 : memref<640x64xf32, #tpu.memory_space<vmem>>) target(%dma_start3A_626 : memref<640x64xf32, #tpu.memory_space<hbm>>) target_semaphore(%arg10 : memref<!tpu.dma_semaphore, #tpu.memory_space<semaphore_mem>>)
    }
    %scan3A_205 = arith.constant 19 : i32
    %dma_wait3A_206 = arith.constant 0 : i32
    %dma_wait3A_207 = tpu.memref_slice %arg4[%mul3A_2, %dma_wait3A_206] : memref<819200x128xf32, #tpu.memory_space<hbm>> -> memref<640x64xf32, #tpu.memory_space<hbm>>
    %dma_wait3A_208 = arith.constant 0 : i32
    %dma_wait3A_209 = tpu.memref_slice %arg4[%mul3A_2, %dma_wait3A_208] : memref<819200x128xf32, #tpu.memory_space<hbm>> -> memref<640x64xf32, #tpu.memory_space<hbm>>
    tpu.wait_dma2 semaphore(%arg10 : memref<!tpu.dma_semaphore, #tpu.memory_space<semaphore_mem>>) src(%arg6 : memref<640x64xf32, #tpu.memory_space<vmem>>) dst(%dma_wait3A_209 : memref<640x64xf32, #tpu.memory_space<hbm>>)
    %dma_wait3A_210 = arith.constant 0 : i32
    %dma_wait3A_211 = arith.constant 0 : i32
    %dma_wait3A_212 = tpu.memref_slice %arg7[%dma_wait3A_210, %dma_wait3A_211] : memref<640x64xf32, #tpu.memory_space<vmem>> -> memref<80x64xf32, #tpu.memory_space<vmem>>
    %dma_wait3A_213 = arith.constant 0 : i32
    %dma_wait3A_214 = tpu.memref_slice %arg5[%dma_wait3A_213] : memref<25600xi32, #tpu.memory_space<vmem>> -> memref<80xi32, #tpu.memory_space<vmem>>
    %dma_wait3A_215 = arith.constant 0 : i32
    %dma_wait3A_216 = arith.constant 0 : i32
    %dma_wait3A_217 = tpu.memref_slice %arg3[%dma_wait3A_215, %dma_wait3A_216] : memref<2000000x64xf32, #tpu.memory_space<hbm>> -> memref<2000000x64xf32, #tpu.memory_space<hbm>>
    tpu.wait_indirect_dma semaphore(%arg9 : memref<!tpu.dma_semaphore, #tpu.memory_space<semaphore_mem>>) src(%dma_wait3A_217 : memref<2000000x64xf32, #tpu.memory_space<hbm>>) dst(%dma_wait3A_212 : memref<80x64xf32, #tpu.memory_space<vmem>>)
    %dma_wait3A_218 = arith.constant 80 : i32
    %dma_wait3A_219 = arith.constant 0 : i32
    %dma_wait3A_220 = tpu.memref_slice %arg7[%dma_wait3A_218, %dma_wait3A_219] : memref<640x64xf32, #tpu.memory_space<vmem>> -> memref<80x64xf32, #tpu.memory_space<vmem>>
    %dma_wait3A_221 = arith.constant 0 : i32
    %dma_wait3A_222 = tpu.memref_slice %arg5[%dma_wait3A_221] : memref<25600xi32, #tpu.memory_space<vmem>> -> memref<80xi32, #tpu.memory_space<vmem>>
    %dma_wait3A_223 = arith.constant 0 : i32
    %dma_wait3A_224 = arith.constant 0 : i32
    %dma_wait3A_225 = tpu.memref_slice %arg3[%dma_wait3A_223, %dma_wait3A_224] : memref<2000000x64xf32, #tpu.memory_space<hbm>> -> memref<2000000x64xf32, #tpu.memory_space<hbm>>
    tpu.wait_indirect_dma semaphore(%arg9 : memref<!tpu.dma_semaphore, #tpu.memory_space<semaphore_mem>>) src(%dma_wait3A_225 : memref<2000000x64xf32, #tpu.memory_space<hbm>>) dst(%dma_wait3A_220 : memref<80x64xf32, #tpu.memory_space<vmem>>)
    %dma_wait3A_226 = arith.constant 160 : i32
    %dma_wait3A_227 = arith.constant 0 : i32
    %dma_wait3A_228 = tpu.memref_slice %arg7[%dma_wait3A_226, %dma_wait3A_227] : memref<640x64xf32, #tpu.memory_space<vmem>> -> memref<80x64xf32, #tpu.memory_space<vmem>>
    %dma_wait3A_229 = arith.constant 0 : i32
    %dma_wait3A_230 = tpu.memref_slice %arg5[%dma_wait3A_229] : memref<25600xi32, #tpu.memory_space<vmem>> -> memref<80xi32, #tpu.memory_space<vmem>>
    %dma_wait3A_231 = arith.constant 0 : i32
    %dma_wait3A_232 = arith.constant 0 : i32
    %dma_wait3A_233 = tpu.memref_slice %arg3[%dma_wait3A_231, %dma_wait3A_232] : memref<2000000x64xf32, #tpu.memory_space<hbm>> -> memref<2000000x64xf32, #tpu.memory_space<hbm>>
    tpu.wait_indirect_dma semaphore(%arg9 : memref<!tpu.dma_semaphore, #tpu.memory_space<semaphore_mem>>) src(%dma_wait3A_233 : memref<2000000x64xf32, #tpu.memory_space<hbm>>) dst(%dma_wait3A_228 : memref<80x64xf32, #tpu.memory_space<vmem>>)
    %dma_wait3A_234 = arith.constant 240 : i32
    %dma_wait3A_235 = arith.constant 0 : i32
    %dma_wait3A_236 = tpu.memref_slice %arg7[%dma_wait3A_234, %dma_wait3A_235] : memref<640x64xf32, #tpu.memory_space<vmem>> -> memref<80x64xf32, #tpu.memory_space<vmem>>
    %dma_wait3A_237 = arith.constant 0 : i32
    %dma_wait3A_238 = tpu.memref_slice %arg5[%dma_wait3A_237] : memref<25600xi32, #tpu.memory_space<vmem>> -> memref<80xi32, #tpu.memory_space<vmem>>
    %dma_wait3A_239 = arith.constant 0 : i32
    %dma_wait3A_240 = arith.constant 0 : i32
    %dma_wait3A_241 = tpu.memref_slice %arg3[%dma_wait3A_239, %dma_wait3A_240] : memref<2000000x64xf32, #tpu.memory_space<hbm>> -> memref<2000000x64xf32, #tpu.memory_space<hbm>>
    tpu.wait_indirect_dma semaphore(%arg9 : memref<!tpu.dma_semaphore, #tpu.memory_space<semaphore_mem>>) src(%dma_wait3A_241 : memref<2000000x64xf32, #tpu.memory_space<hbm>>) dst(%dma_wait3A_236 : memref<80x64xf32, #tpu.memory_space<vmem>>)
    %dma_wait3A_242 = arith.constant 320 : i32
    %dma_wait3A_243 = arith.constant 0 : i32
    %dma_wait3A_244 = tpu.memref_slice %arg7[%dma_wait3A_242, %dma_wait3A_243] : memref<640x64xf32, #tpu.memory_space<vmem>> -> memref<80x64xf32, #tpu.memory_space<vmem>>
    %dma_wait3A_245 = arith.constant 0 : i32
    %dma_wait3A_246 = tpu.memref_slice %arg5[%dma_wait3A_245] : memref<25600xi32, #tpu.memory_space<vmem>> -> memref<80xi32, #tpu.memory_space<vmem>>
    %dma_wait3A_247 = arith.constant 0 : i32
    %dma_wait3A_248 = arith.constant 0 : i32
    %dma_wait3A_249 = tpu.memref_slice %arg3[%dma_wait3A_247, %dma_wait3A_248] : memref<2000000x64xf32, #tpu.memory_space<hbm>> -> memref<2000000x64xf32, #tpu.memory_space<hbm>>
    tpu.wait_indirect_dma semaphore(%arg9 : memref<!tpu.dma_semaphore, #tpu.memory_space<semaphore_mem>>) src(%dma_wait3A_249 : memref<2000000x64xf32, #tpu.memory_space<hbm>>) dst(%dma_wait3A_244 : memref<80x64xf32, #tpu.memory_space<vmem>>)
    %dma_wait3A_250 = arith.constant 400 : i32
    %dma_wait3A_251 = arith.constant 0 : i32
    %dma_wait3A_252 = tpu.memref_slice %arg7[%dma_wait3A_250, %dma_wait3A_251] : memref<640x64xf32, #tpu.memory_space<vmem>> -> memref<80x64xf32, #tpu.memory_space<vmem>>
    %dma_wait3A_253 = arith.constant 0 : i32
    %dma_wait3A_254 = tpu.memref_slice %arg5[%dma_wait3A_253] : memref<25600xi32, #tpu.memory_space<vmem>> -> memref<80xi32, #tpu.memory_space<vmem>>
    %dma_wait3A_255 = arith.constant 0 : i32
    %dma_wait3A_256 = arith.constant 0 : i32
    %dma_wait3A_257 = tpu.memref_slice %arg3[%dma_wait3A_255, %dma_wait3A_256] : memref<2000000x64xf32, #tpu.memory_space<hbm>> -> memref<2000000x64xf32, #tpu.memory_space<hbm>>
    tpu.wait_indirect_dma semaphore(%arg9 : memref<!tpu.dma_semaphore, #tpu.memory_space<semaphore_mem>>) src(%dma_wait3A_257 : memref<2000000x64xf32, #tpu.memory_space<hbm>>) dst(%dma_wait3A_252 : memref<80x64xf32, #tpu.memory_space<vmem>>)
    %dma_wait3A_258 = arith.constant 480 : i32
    %dma_wait3A_259 = arith.constant 0 : i32
    %dma_wait3A_260 = tpu.memref_slice %arg7[%dma_wait3A_258, %dma_wait3A_259] : memref<640x64xf32, #tpu.memory_space<vmem>> -> memref<80x64xf32, #tpu.memory_space<vmem>>
    %dma_wait3A_261 = arith.constant 0 : i32
    %dma_wait3A_262 = tpu.memref_slice %arg5[%dma_wait3A_261] : memref<25600xi32, #tpu.memory_space<vmem>> -> memref<80xi32, #tpu.memory_space<vmem>>
    %dma_wait3A_263 = arith.constant 0 : i32
    %dma_wait3A_264 = arith.constant 0 : i32
    %dma_wait3A_265 = tpu.memref_slice %arg3[%dma_wait3A_263, %dma_wait3A_264] : memref<2000000x64xf32, #tpu.memory_space<hbm>> -> memref<2000000x64xf32, #tpu.memory_space<hbm>>
    tpu.wait_indirect_dma semaphore(%arg9 : memref<!tpu.dma_semaphore, #tpu.memory_space<semaphore_mem>>) src(%dma_wait3A_265 : memref<2000000x64xf32, #tpu.memory_space<hbm>>) dst(%dma_wait3A_260 : memref<80x64xf32, #tpu.memory_space<vmem>>)
    %dma_wait3A_266 = arith.constant 560 : i32
    %dma_wait3A_267 = arith.constant 0 : i32
    %dma_wait3A_268 = tpu.memref_slice %arg7[%dma_wait3A_266, %dma_wait3A_267] : memref<640x64xf32, #tpu.memory_space<vmem>> -> memref<80x64xf32, #tpu.memory_space<vmem>>
    %dma_wait3A_269 = arith.constant 0 : i32
    %dma_wait3A_270 = tpu.memref_slice %arg5[%dma_wait3A_269] : memref<25600xi32, #tpu.memory_space<vmem>> -> memref<80xi32, #tpu.memory_space<vmem>>
    %dma_wait3A_271 = arith.constant 0 : i32
    %dma_wait3A_272 = arith.constant 0 : i32
    %dma_wait3A_273 = tpu.memref_slice %arg3[%dma_wait3A_271, %dma_wait3A_272] : memref<2000000x64xf32, #tpu.memory_space<hbm>> -> memref<2000000x64xf32, #tpu.memory_space<hbm>>
    tpu.wait_indirect_dma semaphore(%arg9 : memref<!tpu.dma_semaphore, #tpu.memory_space<semaphore_mem>>) src(%dma_wait3A_273 : memref<2000000x64xf32, #tpu.memory_space<hbm>>) dst(%dma_wait3A_268 : memref<80x64xf32, #tpu.memory_space<vmem>>)
    %add3A_274 = arith.constant 24960 : i32
    %add3A_275 = arith.addi %mul3A_2, %add3A_274 : i32
    %dma_start3A_276 = arith.constant 0 : i32
    %dma_start3A_277 = tpu.memref_slice %arg4[%add3A_275, %dma_start3A_276] : memref<819200x128xf32, #tpu.memory_space<hbm>> -> memref<640x64xf32, #tpu.memory_space<hbm>>
    %dma_start3A_278 = arith.constant 0 : i32
    %dma_start3A_279 = tpu.memref_slice %arg4[%add3A_275, %dma_start3A_278] : memref<819200x128xf32, #tpu.memory_space<hbm>> -> memref<640x64xf32, #tpu.memory_space<hbm>>
    tpu.enqueue_dma source(%arg7 : memref<640x64xf32, #tpu.memory_space<vmem>>) target(%dma_start3A_279 : memref<640x64xf32, #tpu.memory_space<hbm>>) target_semaphore(%arg11 : memref<!tpu.dma_semaphore, #tpu.memory_space<semaphore_mem>>)
    %dma_wait3A_280 = arith.constant 0 : i32
    %dma_wait3A_281 = tpu.memref_slice %arg4[%mul3A_2, %dma_wait3A_280] : memref<819200x128xf32, #tpu.memory_space<hbm>> -> memref<640x64xf32, #tpu.memory_space<hbm>>
    %dma_wait3A_282 = arith.constant 0 : i32
    %dma_wait3A_283 = tpu.memref_slice %arg4[%mul3A_2, %dma_wait3A_282] : memref<819200x128xf32, #tpu.memory_space<hbm>> -> memref<640x64xf32, #tpu.memory_space<hbm>>
    tpu.wait_dma2 semaphore(%arg11 : memref<!tpu.dma_semaphore, #tpu.memory_space<semaphore_mem>>) src(%arg7 : memref<640x64xf32, #tpu.memory_space<vmem>>) dst(%dma_wait3A_283 : memref<640x64xf32, #tpu.memory_space<hbm>>)
    return
  }
}

</mosaic_0001>

<sc_bundles>
// kernel: kernel.3.cloned.1.call-start
scs
__scs_entry_jumppad:
0x0: {  	(pc) =	sbr.rel $0x88, $3  }
0x1: {  	(tag) =	ssettag $0x0;
	lr =	simm.s32 $0x1  }
0x2: {  	[smem:$0x3F9F] =	sst lr;
	_ =	strace $0xD0000000  }
0x3: {  	_ = 	snop  }
0x4: {  	_ = 	snop  }
0x5: {  	_ = 	snop  }
0x6: {  	_ = 	snop  }
0x7: {  	_ = 	snop  }
__scs_overlays_trampoline_lowered:
0x8: {  	[smem:$0x3FAE] =	sst s0  }
0x9: {  	[smem:$0x3FAF] =	sst s1  }
0xa: {  	[smem:$0x3FB0] =	sst s2  }
0xb: {  	[smem:$0x3FB1] =	sst s3  }
0xc: {  	[smem:$0x3FB2] =	sst s4  }
0xd: {  	[smem:$0x3FB3] =	sst s5  }
0xe: {  	[smem:$0x3FB4] =	sst s6  }
0xf: {  	[smem:$0x3FB5] =	sst s7  }
0x10: {  	[smem:$0x3FB6] =	sst s8  }
0x11: {  	[smem:$0x3FB7] =	sst s9;
	s0 =	simm.s32 @!p0 $0x0  }
0x12: {  	s1 =	sld [smem:$0x3F9D];
	s0 =	simm.s32 @p0 $0x1  }
0x13: {  	[smem:$0x3FB8] =	sst s0;
	s0 =	simm.s32 @!p1 $0x0  }
0x14: {  	s2 =	sld [smem:$0x3F9C];
	s0 =	simm.s32 @p1 $0x1  }
0x15: {  	[smem:$0x3FB9] =	sst s0;
	s0 =	simm.s32 @!p2 $0x0  }
0x16: {  	s3 =	sld [smem:$0x3FDB];
	s0 =	simm.s32 @p2 $0x1  }
0x17: {  	s4 =	simm.s32 $0x1BF5;
	[smem:$0x3FBB] =	sst s0  }
0x18: {  	s0 =	sld [smem:$0x3F9E];
	_ =	swait.ge [sflag:s4], $0x0  }
0x19: {  	s7 =	sld [smem:$0x3F9F]  }
0x1a: {  	s8 =	sadd.s32 $0xFFFFE003, lr  }
0x1b: {  	s9 =	sadd.s32 $0xFFFFFEF7, lr;
	s5 =	simm.s32 $0xFFFFFFFF;
	p2 =	slt.u32 s8, $0xFFFFF086  }
0x1c: {  	p1 =	slt.u32 s9, $0xF7A;
	s5 =	simm.s32 @!p2 $0x0  }
0x1d: {  	s5 =	simm.s32 @p1 $0x1;
	p0 =	seq.s32 s7, s2  }
0x1e: {  	s7 =	smul.u32 @!p0 $0xF7A, s2;
	p2 =	seq.s32 @!p0 s5, $0x0  }
0x1f: {  	s9 =	smul.u32 $0xF7A, s1;
	s8 =	simm.s32 @!p0 $0x1BF5;
	p2 =	por !p2, p0  }
0x20: {  	[sflag:s8] =	ssyncset.s32 @!p0 $0xFFFFF086;
	s6 =	sadd.s32 @!p0 s3, s7;
	s7 =	simm.s32 @!p0 $0x108  }
0x21: {  	s3 =	sadd.s32 s3, s9;
	s6 =	sadd.s32 @!p0 $0x88, s6;
	s7 =	simm.s32 @p2 $0x1082  }
0x22: {  	[simem:s7], [sflag:s8] =	dma.local @!p0 [hbm:s6], $0xF7A  }
0x23: {  	s9 =	sor.u32 $0xD0000000, s2;
	s6 =	simm.s32 $0x108;
	_ =	swait.ge @!p0 [sflag:s8], $0x0  }
0x24: {  	s3 =	sadd.s32 $0x88, s3;
	s6 =	simm.s32 @!p1 $0x1082;
	[sflag:s4] =	ssyncset.s32 $0xFFFFF086  }
0x25: {  	[simem:s6], [sflag:s4] =	dma.local [hbm:s3], $0xF7A  }
0x26: {  	[smem:$0x3F9F] =	sst s1;
	(tag) =	ssettag s2;
	_ =	strace s9  }
0x27: {  	s1 =	sld [smem:$0x3FAF]  }
0x28: {  	s2 =	sld [smem:$0x3FB0]  }
0x29: {  	s4 =	sld [smem:$0x3FB2]  }
0x2a: {  	p0 =	seq.s32 s5, $0x0;
	s5 =	sld [smem:$0x3FB3]  }
0x2b: {  	s6 =	sld [smem:$0x3FB4]  }
0x2c: {  	s7 =	sld [smem:$0x3FB5]  }
0x2d: {  	s3 =	simm.s32 $0x108;
	s8 =	sld [smem:$0x3FB6]  }
0x2e: {  	s3 =	simm.s32 @!p0 $0x1082;
	s9 =	sld [smem:$0x3FB7]  }
0x2f: {  	lr =	sadd.s32 s0, s3;
	s0 =	sld [smem:$0x3FAE]  }
0x30: {  	s3 =	sld [smem:$0x3FB1]  }
0x31: {  	[smem:$0x3FBA] =	sst s10  }
0x32: {  	s10 =	sld [smem:$0x3FB8];
	_ =	sdelay $0x3  }
0x33: {  	p0 =	seq.s32 s10, $0x1;
	s10 =	sld [smem:$0x3FBA];
	_ =	sdelay $0x3  }
0x34: {  	[smem:$0x3FBA] =	sst s10  }
0x35: {  	s10 =	sld [smem:$0x3FB9];
	_ =	sdelay $0x3  }
0x36: {  	p1 =	seq.s32 s10, $0x1;
	s10 =	sld [smem:$0x3FBA];
	_ =	sdelay $0x3  }
0x37: {  	[smem:$0x3FBA] =	sst s10  }
0x38: {  	s10 =	sld [smem:$0x3FBB]  }
0x39: {  	_ = 	snop;
	(pc) =	sbr.ind lr, $3  }
0x3a: {  	_ = 	snop  }
0x3b: {  	_ = 	snop  }
0x3c: {  	p2 =	seq.s32 s10, $0x1;
	s10 =	sld [smem:$0x3FBA]  }
0x3d: {  	_ =	shalt  }
0x3e: {  	_ =	shalt  }
0x3f: {  	_ =	shalt  }
0x40: {  	_ =	shalt  }
0x41: {  	_ =	shalt  }
0x42: {  	_ =	shalt  }
0x43: {  	_ =	shalt  }
0x44: {  	_ =	shalt  }
0x45: {  	_ =	shalt  }
0x46: {  	_ =	shalt  }
0x47: {  	_ =	shalt  }
0x48: {  	_ =	shalt  }
0x49: {  	_ =	shalt  }
0x4a: {  	_ =	shalt  }
0x4b: {  	_ =	shalt  }
0x4c: {  	_ =	shalt  }
0x4d: {  	_ =	shalt  }
0x4e: {  	_ =	shalt  }
0x4f: {  	_ =	shalt  }
0x50: {  	_ =	shalt  }
0x51: {  	_ =	shalt  }
0x52: {  	_ =	shalt  }
0x53: {  	_ =	shalt  }
0x54: {  	_ =	shalt  }
0x55: {  	_ =	shalt  }
0x56: {  	_ =	shalt  }
0x57: {  	_ =	shalt  }
0x58: {  	_ =	shalt  }
0x59: {  	_ =	shalt  }
0x5a: {  	_ =	shalt  }
0x5b: {  	_ =	shalt  }
0x5c: {  	_ =	shalt  }
0x5d: {  	_ =	shalt  }
0x5e: {  	_ =	shalt  }
0x5f: {  	_ =	shalt  }
0x60: {  	_ =	shalt  }
0x61: {  	_ =	shalt  }
0x62: {  	_ =	shalt  }
0x63: {  	_ =	shalt  }
0x64: {  	_ =	shalt  }
0x65: {  	_ =	shalt  }
0x66: {  	_ =	shalt  }
0x67: {  	_ =	shalt  }
0x68: {  	_ =	shalt  }
0x69: {  	_ =	shalt  }
0x6a: {  	_ =	shalt  }
0x6b: {  	_ =	shalt  }
0x6c: {  	_ =	shalt  }
0x6d: {  	_ =	shalt  }
0x6e: {  	_ =	shalt  }
0x6f: {  	_ =	shalt  }
0x70: {  	_ =	shalt  }
0x71: {  	_ =	shalt  }
0x72: {  	_ =	shalt  }
0x73: {  	_ =	shalt  }
0x74: {  	_ =	shalt  }
0x75: {  	_ =	shalt  }
0x76: {  	_ =	shalt  }
0x77: {  	_ =	shalt  }
0x78: {  	_ =	shalt  }
0x79: {  	_ =	shalt  }
0x7a: {  	_ =	shalt  }
0x7b: {  	_ =	shalt  }
0x7c: {  	_ =	shalt  }
0x7d: {  	_ =	shalt  }
0x7e: {  	_ =	shalt  }
0x7f: {  	_ =	shalt  }
0x80: {  	_ =	shalt  }
0x81: {  	_ =	shalt  }
0x82: {  	_ =	shalt  }
0x83: {  	_ =	shalt  }
0x84: {  	_ =	shalt  }
0x85: {  	_ =	shalt  }
0x86: {  	_ =	shalt  }
0x87: {  	_ =	shalt  }
.Lfunc_end0:
.L_simem_size_0:
called_computation.1_lowered:
.L_overlay_start_0:
0x88: {  	s2 =	sld [smem:$0x3FD9]  }
0x89: {  	s3 =	sld [smem:$0x3FFE];
	_ =	sdelay $0x1  }
0x8a: {  	s1 =	srdreg.scid  }
0x8b: {  	s0 =	sand.u32 $0x1, s1  }
0x8c: {  	s17 =	sshll.u32 s0, $0xA;
	s2 =	sadd.s32 s3, s2  }
0x8d: {  	s2 =	sadd.s32 s2, s17  }
0x8e: {  	[smem:$0x3FC6] =	sst s2  }
0x8f: {  	_ = 	snop  }
0x90: {  	s2 =	sld [smem:$0x3FD0];
	(tm) =	ssettm $0x1  }
0x91: {  	s18 =	sld [smem:$0x3FFB];
	_ =	sdelay $0x3  }
0x92: {  	_ =	strace s18  }
0x93: {  	s3 =	sld [smem:$0x3FFC];
	_ =	sdelay $0x3  }
0x94: {  	_ =	strace s3  }
0x95: {  	s3 =	sld [smem:$0x3FFD];
	_ =	sdelay $0x3  }
0x96: {  	_ =	strace s3  }
0x97: {  	_ =	strace $0x8FFFFFFF  }
0x98: {  	s19 =	sld [smem:$0x3FDB];
	_ =	sdelay $0x1  }
0x99: {  	s4 =	simm.s32 $_scs_section_size  }
0x9a: {  	s5 =	simm.s32 $_size__tile_overlayer_lowered;
	s6 =	simm.s32 $_tile_overlayer_lowered  }
0x9b: {  	s22 =	simm.s32 $0x1BFF;
	s21 =	sshll.u32 s6, $0x1;
	s3 =	sadd.s32 s4, s19  }
0x9c: {  	s7 =	simm.s32 $0x0;
	s20 =	sshll.u32 s5, $0x1;
	s5 =	sadd.s32 s21, s3  }
0x9d: {  	[timem:s7], [sflag:s22] =	dma.local [hbm:s5], s20  }
0x9e: {  	_ =	swait.ge [sflag:s22], s20  }
0x9f: {  	s4 =	ssub.s32 $0x0, s20;
	[sflag:s22] =	ssyncset.done $0x0  }
0xa0: {  	[sflag:s22] =	ssyncadd.s32 s4;
	_ =	sdelay $0x1  }
0xa1: {  	s23 =	simm.s32 $0x1B8B  }
0xa2: {  	_ =	swait.ge [sflag:s23], $0x1  }
0xa3: {  	[sflag:s23] =	ssyncset.done $0x0  }
0xa4: {  	s25 =	simm.s32 $0x1B8E;
	s24 =	sld [smem:$0x3FFE];
	[sflag:s23] =	ssyncadd.s32 $0xFFFFFFFF  }
0xa5: {  	s26 =	simm.s32 $execute0_lowered;
	[smem:$0x3FD2] =	sst s25  }
0xa6: {  	s5 =	sshll.u32 s26, $0x1;
	_ =	strace $0x80000046;
	[dreg:$0x1] =	wrdreg $0xFFFFFFFF  }
0xa7: {  	s28 =	simm.s32 $_size_execute0_lowered;
	s3 =	sadd.s32 s3, s5;
	[dreg:$0x0] =	wrdreg $0x0  }
0xa8: {  	s5 =	sshll.u32 s28, $0x1;
	[dreg:$0x2] =	wrdreg s3  }
0xa9: {  	[dreg:$0x3] =	wrdreg s5  }
0xaa: {  	[dreg:$0x4] =	wrdreg $0xC0  }
0xab: {  	_ =	task [dreg:s7], $0x5FFFF  }
0xac: {  	[dreg:$0x1] =	wrdreg $0xFFFFFFFF  }
0xad: {  	[dreg:$0x0] =	wrdreg $0x60  }
0xae: {  	[dreg:$0x2] =	wrdreg s2  }
0xaf: {  	[dreg:$0x3] =	wrdreg s24  }
0xb0: {  	[dreg:$0x4] =	wrdreg $0x9  }
0xb1: {  	_ =	task.clear_ibuf [dreg:s7], $0x5FFFF;
	_ =	strace $0x90000046  }
0xb2: {  	s29 =	simm.s32 $0x9;
	_ =	strace $0x80000048  }
0xb3: {  	_ =	swait.ge [sflag:s29], $0x1  }
0xb4: {  	[sflag:s29] =	ssyncadd.s32 $0xFFFFFFFF  }
0xb5: {  	_ =	strace $0x90000048  }
0xb6: {  	_ =	sfence  }
0xb7: {  	s30 =	sld [smem:$0x0];
	_ =	sdelay $0x2  }
0xb8: {  	s31 =	sshll.u32 s1, $0xD;
	s1 =	sshrl.u32 s1, $0x2  }
0xb9: {  	s3 =	sand.u32 $0x4000, s31;
	s1 =	sadd.s32 s1, s30  }
0xba: {  	s0 =	sor.u32 s3, s0;
	s1 =	sshll.u32 s1, $0x11  }
0xbb: {  	s0 =	sor.u32 s1, s0  }
0xbc: {  	s0 =	sadd.s32 $0x8F2B, s0  }
0xbd: {  	[sflag:s0] =	ssyncadd.remote.s32 $0x1  }
0xbe: {  	_ =	sfence.sel $0xFFFF  }
0xbf: {  	[dreg:$0x0] =	wrdreg $0xFFFFFFFF;
	(pc) =	sbr.abs _section_cstart, $3  }
0xc0: {  	[dreg:$0x1] =	wrdreg $0xFFFFFFFF  }
0xc1: {  	_ =	task.clear_ibuf [dreg:s7], $0x2FFFF;
	_ =	strace $0x9FFFFFFF  }
0xc2: {  	(tm) =	ssettm $0x7FFFFFFF  }
0xc3: {  	_ =	shalt  }
tec
execute0_lowered:
.L_overlay_start_1:
0x0: {  	(tag) =	ssettag $0x1  }
0x1: {  	s0 =	srdreg.scid;
	s1 =	rddreg [dreg:$0x0]  }
0x2: {  	s3 =	stileid.u32;
	s4 =	rddreg [dreg:$0x1];
	s6 =	simm.s32 $0x0  }
0x3: {  	s11 =	simm.s32 $0x50;
	s12 =	simm.s32 $0x6400;
	s13 =	simm.s32 $0x7800  }
0x4: {  	s15 =	simm.s32 $0x8C00;
	s17 =	simm.s32 $0xA000;
	s19 =	simm.s32 $0xB400  }
0x5: {  	s21 =	simm.s32 $0xC800;
	s29 =	simm.s32 $0x10400;
	s31 =	simm.s32 $0x11800  }
0x6: {  	s16 =	simm.s32 $0x14000;
	s20 =	simm.s32 $0x15400;
	s30 =	simm.s32 $0x17C00  }
0x7: {  	s14 =	simm.s32 $0x19000;
	s18 =	simm.s32 $0x40;
	s22 =	simm.s32 $0x80  }
0x8: {  	s0 =	sand.u32 $0x1, s0;
	s2 =	sshll.u32 s3, $0x1;
	s8 =	smul.u32 $0xC800, s3  }
0x9: {  	s2 =	sor.u32 s0, s2;
	s7 =	ssub.s32 $0x2, s0;
	s0 =	smul.u32 $0x6400, s0  }
0xa: {  	s28 =	simm.s32 $0x3;
	[smem:$0x7FF] =	sst s6;
	s5 =	smul.u32 $0x6400, s2  }
0xb: {  	s3 =	sadd.s32 $0x800, s4;
	s4 =	sadd.s32 $0xF42C00, s4;
	s23 =	smul.u32 $0x320000, s2  }
0xc: {  	_ =	strace $0x80000047;
	s9 =	sshrl.u32 s7, $0x1;
	s2 =	smul.u32 $0x64000, s2  }
0xd: {  	s7 =	ssub.s32 s7, s9;
	s0 =	sadd.s32 s0, s8;
	s5 =	sshrl.u32 s5, $0x3  }
0xe: {  	s6 =	sshrl.u32 s23, $0x3;
	s0 =	sshll.u32 s0, $0x4;
	s2 =	sadd.s32 s4, s2  }
0xf: {  	s25 =	smax.u32 s7, $0x1;
	s23 =	simm.s32 $0xDC00;
	[dreg:$0x4] =	wrdreg s2  }
0x10: {  	s1 =	sadd.s32 s1, s5;
	s24 =	sadd.s32 s4, s6;
	[dreg:$0x6] =	wrdreg s25  }
0x11: {  	s0 =	sadd.s32 s4, s0;
	[dreg:$0x3] =	wrdreg s1;
	s1 =	sadd.s32 $0x61800, s24  }
0x12: {  	s25 =	simm.s32 $0xF000;
	s26 =	sadd.s32 $0x2800, s0;
	[dreg:$0x5] =	wrdreg s1  }
0x13: {  	s2 =	simm.s32 $0x4;
	s0 =	sadd.s32 $0x5000, s0;
	[dreg:$0x7] =	wrdreg s26  }
0x14: {  	s4 =	simm.s32 $0x0;
	s24 =	simm.s32 $0x16800;
	[dreg:$0x8] =	wrdreg s0  }
0x15: {  	s26 =	simm.s32 $0x1;
	s0 =	simm.s32 $0x12C00;
	s1 =	simm.s32 $0x2  }
.LBB2_1:
0x16: {  	s5 =	simm.s32 $0x0;
	s6 =	rddreg [dreg:$0x3];
	s8 =	simm.s32 $0x5  }
0x17: {  	[tilespmem:s5], [sflag:$0x5] =	stream.linear.gather [hbm4b:s6+s5], $0x6400, $0x38;
	[tilespmem:$0x1A400] =	vst v63  }
0x18: {  	_ =	swait.ge [sflag:s8], $0x6400  }
0x19: {  	[sflag:s8] =	ssyncset.done $0x0  }
0x1a: {  	[sflag:s8] =	ssyncadd.s32 $0xFFFF9C00  }
0x1b: {  	[tilespmem:s12], [sflag:$0x1] =	stream.indirect.gather [hbm4b:s3+s11], $0x40, s5, s11, $0xb8;
	[tilespmem:$0x1A400] =	vst v63  }
0x1c: {  	_ = 	snop  }
0x1d: {  	[tilespmem:s13], [sflag:$0x1] =	stream.indirect.gather [hbm4b:s3+s11], $0x40, s11, s11, $0xb8;
	[tilespmem:$0x1A400] =	vst v63  }
0x1e: {  	s9 =	simm.s32 $0xA0  }
0x1f: {  	[tilespmem:s15], [sflag:$0x1] =	stream.indirect.gather [hbm4b:s3+s11], $0x40, s9, s11, $0xb8;
	[tilespmem:$0x1A400] =	vst v63  }
0x20: {  	s10 =	simm.s32 $0xF0  }
0x21: {  	[tilespmem:s17], [sflag:$0x1] =	stream.indirect.gather [hbm4b:s3+s11], $0x40, s10, s11, $0xb8;
	[tilespmem:$0x1A400] =	vst v63  }
0x22: {  	s6 =	simm.s32 $0x140  }
0x23: {  	[tilespmem:s19], [sflag:$0x1] =	stream.indirect.gather [hbm4b:s3+s11], $0x40, s6, s11, $0xb8;
	[tilespmem:$0x1A400] =	vst v63  }
0x24: {  	s7 =	simm.s32 $0x190  }
0x25: {  	[tilespmem:s21], [sflag:$0x1] =	stream.indirect.gather [hbm4b:s3+s11], $0x40, s7, s11, $0xb8;
	[tilespmem:$0x1A400] =	vst v63  }
0x26: {  	s8 =	simm.s32 $0x1E0  }
0x27: {  	[tilespmem:s23], [sflag:$0x1] =	stream.indirect.gather [hbm4b:s3+s11], $0x40, s8, s11, $0xb8;
	[tilespmem:$0x1A400] =	vst v63  }
0x28: {  	s9 =	simm.s32 $0x230  }
0x29: {  	[tilespmem:s25], [sflag:$0x1] =	stream.indirect.gather [hbm4b:s3+s11], $0x40, s9, s11, $0xb8;
	[tilespmem:$0x1A400] =	vst v63  }
0x2a: {  	_ =	swait.ge [sflag:s26], $0x1400  }
0x2b: {  	[sflag:s26] =	ssyncset.done $0x0  }
0x2c: {  	[sflag:s26] =	ssyncadd.s32 $0xFFFFEC00  }
0x2d: {  	_ =	swait.ge [sflag:s26], $0x1400  }
0x2e: {  	[sflag:s26] =	ssyncset.done $0x0  }
0x2f: {  	[sflag:s26] =	ssyncadd.s32 $0xFFFFEC00  }
0x30: {  	_ =	swait.ge [sflag:s26], $0x1400  }
0x31: {  	[sflag:s26] =	ssyncset.done $0x0  }
0x32: {  	[sflag:s26] =	ssyncadd.s32 $0xFFFFEC00  }
0x33: {  	_ =	swait.ge [sflag:s26], $0x1400  }
0x34: {  	[sflag:s26] =	ssyncset.done $0x0  }
0x35: {  	[sflag:s26] =	ssyncadd.s32 $0xFFFFEC00  }
0x36: {  	_ =	swait.ge [sflag:s26], $0x1400  }
0x37: {  	[sflag:s26] =	ssyncset.done $0x0  }
0x38: {  	[sflag:s26] =	ssyncadd.s32 $0xFFFFEC00  }
0x39: {  	_ =	swait.ge [sflag:s26], $0x1400  }
0x3a: {  	[sflag:s26] =	ssyncset.done $0x0  }
0x3b: {  	[sflag:s26] =	ssyncadd.s32 $0xFFFFEC00  }
0x3c: {  	_ =	swait.ge [sflag:s26], $0x1400  }
0x3d: {  	[sflag:s26] =	ssyncset.done $0x0  }
0x3e: {  	[sflag:s26] =	ssyncadd.s32 $0xFFFFEC00  }
0x3f: {  	_ =	swait.ge [sflag:s26], $0x1400  }
0x40: {  	[sflag:s26] =	ssyncset.done $0x0  }
0x41: {  	s10 =	simm.s32 $0x280;
	[sflag:s26] =	ssyncadd.s32 $0xFFFFEC00  }
0x42: {  	[tilespmem:s29], [sflag:$0x2] =	stream.indirect.gather [hbm4b:s3+s11], $0x40, s10, s11, $0xb8;
	[tilespmem:$0x1A400] =	vst v63  }
0x43: {  	s6 =	simm.s32 $0x2D0  }
0x44: {  	[tilespmem:s31], [sflag:$0x2] =	stream.indirect.gather [hbm4b:s3+s11], $0x40, s6, s11, $0xb8;
	[tilespmem:$0x1A400] =	vst v63  }
0x45: {  	s7 =	simm.s32 $0x320  }
0x46: {  	[tilespmem:s0], [sflag:$0x2] =	stream.indirect.gather [hbm4b:s3+s11], $0x40, s7, s11, $0xb8;
	[tilespmem:$0x1A400] =	vst v63  }
0x47: {  	s8 =	simm.s32 $0x370  }
0x48: {  	[tilespmem:s16], [sflag:$0x2] =	stream.indirect.gather [hbm4b:s3+s11], $0x40, s8, s11, $0xb8;
	[tilespmem:$0x1A400] =	vst v63  }
0x49: {  	s9 =	simm.s32 $0x3C0  }
0x4a: {  	[tilespmem:s20], [sflag:$0x2] =	stream.indirect.gather [hbm4b:s3+s11], $0x40, s9, s11, $0xb8;
	[tilespmem:$0x1A400] =	vst v63  }
0x4b: {  	s10 =	simm.s32 $0x410  }
0x4c: {  	[tilespmem:s24], [sflag:$0x2] =	stream.indirect.gather [hbm4b:s3+s11], $0x40, s10, s11, $0xb8;
	[tilespmem:$0x1A400] =	vst v63  }
0x4d: {  	s6 =	simm.s32 $0x460  }
0x4e: {  	[tilespmem:s30], [sflag:$0x2] =	stream.indirect.gather [hbm4b:s3+s11], $0x40, s6, s11, $0xb8;
	[tilespmem:$0x1A400] =	vst v63  }
0x4f: {  	s7 =	simm.s32 $0x4B0  }
0x50: {  	[tilespmem:s14], [sflag:$0x2] =	stream.indirect.gather [hbm4b:s3+s11], $0x40, s7, s11, $0xb8;
	[tilespmem:$0x1A400] =	vst v63  }
0x51: {  	s8 =	rddreg [dreg:$0x4]  }
0x52: {  	[hbm4b:s8+s18] =	stream.strided.scatter [tilespmem:s12], [sflag:$0x3], $0xA000, s22, s18, $0x38;
	[tilespmem:$0x1A400] =	vst v63  }
0x53: {  	_ =	swait.ge [sflag:s28], $0xA000  }
0x54: {  	[sflag:s28] =	ssyncset.done $0x0  }
0x55: {  	s9 =	simm.s32 $0x500;
	[sflag:s28] =	ssyncadd.s32 $0xFFFF6000  }
0x56: {  	[tilespmem:s12], [sflag:$0x1] =	stream.indirect.gather [hbm4b:s3+s11], $0x40, s9, s11, $0xb8;
	[tilespmem:$0x1A400] =	vst v63  }
0x57: {  	s10 =	simm.s32 $0x550  }
0x58: {  	[tilespmem:s13], [sflag:$0x1] =	stream.indirect.gather [hbm4b:s3+s11], $0x40, s10, s11, $0xb8;
	[tilespmem:$0x1A400] =	vst v63  }
0x59: {  	s6 =	simm.s32 $0x5A0  }
0x5a: {  	[tilespmem:s15], [sflag:$0x1] =	stream.indirect.gather [hbm4b:s3+s11], $0x40, s6, s11, $0xb8;
	[tilespmem:$0x1A400] =	vst v63  }
0x5b: {  	s7 =	simm.s32 $0x5F0  }
0x5c: {  	[tilespmem:s17], [sflag:$0x1] =	stream.indirect.gather [hbm4b:s3+s11], $0x40, s7, s11, $0xb8;
	[tilespmem:$0x1A400] =	vst v63  }
0x5d: {  	s8 =	simm.s32 $0x640  }
0x5e: {  	[tilespmem:s19], [sflag:$0x1] =	stream.indirect.gather [hbm4b:s3+s11], $0x40, s8, s11, $0xb8;
	[tilespmem:$0x1A400] =	vst v63  }
0x5f: {  	s9 =	simm.s32 $0x690  }
0x60: {  	[tilespmem:s21], [sflag:$0x1] =	stream.indirect.gather [hbm4b:s3+s11], $0x40, s9, s11, $0xb8;
	[tilespmem:$0x1A400] =	vst v63  }
0x61: {  	s10 =	simm.s32 $0x6E0  }
0x62: {  	[tilespmem:s23], [sflag:$0x1] =	stream.indirect.gather [hbm4b:s3+s11], $0x40, s10, s11, $0xb8;
	[tilespmem:$0x1A400] =	vst v63  }
0x63: {  	s6 =	simm.s32 $0x730  }
0x64: {  	[tilespmem:s25], [sflag:$0x1] =	stream.indirect.gather [hbm4b:s3+s11], $0x40, s6, s11, $0xb8;
	[tilespmem:$0x1A400] =	vst v63  }
0x65: {  	_ =	swait.ge [sflag:s1], $0x1400  }
0x66: {  	[sflag:s1] =	ssyncset.done $0x0  }
0x67: {  	[sflag:s1] =	ssyncadd.s32 $0xFFFFEC00  }
0x68: {  	_ =	swait.ge [sflag:s1], $0x1400  }
0x69: {  	[sflag:s1] =	ssyncset.done $0x0  }
0x6a: {  	[sflag:s1] =	ssyncadd.s32 $0xFFFFEC00  }
0x6b: {  	_ =	swait.ge [sflag:s1], $0x1400  }
0x6c: {  	[sflag:s1] =	ssyncset.done $0x0  }
0x6d: {  	[sflag:s1] =	ssyncadd.s32 $0xFFFFEC00  }
0x6e: {  	_ =	swait.ge [sflag:s1], $0x1400  }
0x6f: {  	[sflag:s1] =	ssyncset.done $0x0  }
0x70: {  	[sflag:s1] =	ssyncadd.s32 $0xFFFFEC00  }
0x71: {  	_ =	swait.ge [sflag:s1], $0x1400  }
0x72: {  	[sflag:s1] =	ssyncset.done $0x0  }
0x73: {  	[sflag:s1] =	ssyncadd.s32 $0xFFFFEC00  }
0x74: {  	_ =	swait.ge [sflag:s1], $0x1400  }
0x75: {  	[sflag:s1] =	ssyncset.done $0x0  }
0x76: {  	[sflag:s1] =	ssyncadd.s32 $0xFFFFEC00  }
0x77: {  	_ =	swait.ge [sflag:s1], $0x1400  }
0x78: {  	[sflag:s1] =	ssyncset.done $0x0  }
0x79: {  	[sflag:s1] =	ssyncadd.s32 $0xFFFFEC00  }
0x7a: {  	_ =	swait.ge [sflag:s1], $0x1400  }
0x7b: {  	[sflag:s1] =	ssyncset.done $0x0  }
0x7c: {  	s6 =	rddreg [dreg:$0x7];
	[sflag:s1] =	ssyncadd.s32 $0xFFFFEC00  }
0x7d: {  	[hbm4b:s6+s18] =	stream.strided.scatter [tilespmem:s29], [sflag:$0x4], $0xA000, s22, s18, $0x38;
	[tilespmem:$0x1A400] =	vst v63  }
0x7e: {  	_ =	swait.ge [sflag:s2], $0xA000  }
0x7f: {  	[sflag:s2] =	ssyncset.done $0x0  }
0x80: {  	s7 =	simm.s32 $0x780;
	[sflag:s2] =	ssyncadd.s32 $0xFFFF6000  }
0x81: {  	[tilespmem:s29], [sflag:$0x2] =	stream.indirect.gather [hbm4b:s3+s11], $0x40, s7, s11, $0xb8;
	[tilespmem:$0x1A400] =	vst v63  }
0x82: {  	s8 =	simm.s32 $0x7D0  }
0x83: {  	[tilespmem:s31], [sflag:$0x2] =	stream.indirect.gather [hbm4b:s3+s11], $0x40, s8, s11, $0xb8;
	[tilespmem:$0x1A400] =	vst v63  }
0x84: {  	s9 =	simm.s32 $0x820  }
0x85: {  	[tilespmem:s0], [sflag:$0x2] =	stream.indirect.gather [hbm4b:s3+s11], $0x40, s9, s11, $0xb8;
	[tilespmem:$0x1A400] =	vst v63  }
0x86: {  	s10 =	simm.s32 $0x870  }
0x87: {  	[tilespmem:s16], [sflag:$0x2] =	stream.indirect.gather [hbm4b:s3+s11], $0x40, s10, s11, $0xb8;
	[tilespmem:$0x1A400] =	vst v63  }
0x88: {  	s7 =	simm.s32 $0x8C0  }
0x89: {  	[tilespmem:s20], [sflag:$0x2] =	stream.indirect.gather [hbm4b:s3+s11], $0x40, s7, s11, $0xb8;
	[tilespmem:$0x1A400] =	vst v63  }
0x8a: {  	s8 =	simm.s32 $0x910  }
0x8b: {  	[tilespmem:s24], [sflag:$0x2] =	stream.indirect.gather [hbm4b:s3+s11], $0x40, s8, s11, $0xb8;
	[tilespmem:$0x1A400] =	vst v63  }
0x8c: {  	s9 =	simm.s32 $0x960  }
0x8d: {  	[tilespmem:s30], [sflag:$0x2] =	stream.indirect.gather [hbm4b:s3+s11], $0x40, s9, s11, $0xb8;
	[tilespmem:$0x1A400] =	vst v63  }
0x8e: {  	s10 =	simm.s32 $0x9B0  }
0x8f: {  	[tilespmem:s14], [sflag:$0x2] =	stream.indirect.gather [hbm4b:s3+s11], $0x40, s10, s11, $0xb8;
	[tilespmem:$0x1A400] =	vst v63  }
0x90: {  	_ =	swait.ge [sflag:s26], $0x1400  }
0x91: {  	[sflag:s26] =	ssyncset.done $0x0  }
0x92: {  	[sflag:s26] =	ssyncadd.s32 $0xFFFFEC00  }
0x93: {  	_ =	swait.ge [sflag:s26], $0x1400  }
0x94: {  	[sflag:s26] =	ssyncset.done $0x0  }
0x95: {  	[sflag:s26] =	ssyncadd.s32 $0xFFFFEC00  }
0x96: {  	_ =	swait.ge [sflag:s26], $0x1400  }
0x97: {  	[sflag:s26] =	ssyncset.done $0x0  }
0x98: {  	[sflag:s26] =	ssyncadd.s32 $0xFFFFEC00  }
0x99: {  	_ =	swait.ge [sflag:s26], $0x1400  }
0x9a: {  	[sflag:s26] =	ssyncset.done $0x0  }
0x9b: {  	[sflag:s26] =	ssyncadd.s32 $0xFFFFEC00  }
0x9c: {  	_ =	swait.ge [sflag:s26], $0x1400  }
0x9d: {  	[sflag:s26] =	ssyncset.done $0x0  }
0x9e: {  	[sflag:s26] =	ssyncadd.s32 $0xFFFFEC00  }
0x9f: {  	_ =	swait.ge [sflag:s26], $0x1400  }
0xa0: {  	[sflag:s26] =	ssyncset.done $0x0  }
0xa1: {  	[sflag:s26] =	ssyncadd.s32 $0xFFFFEC00  }
0xa2: {  	_ =	swait.ge [sflag:s26], $0x1400  }
0xa3: {  	[sflag:s26] =	ssyncset.done $0x0  }
0xa4: {  	[sflag:s26] =	ssyncadd.s32 $0xFFFFEC00  }
0xa5: {  	_ =	swait.ge [sflag:s26], $0x1400  }
0xa6: {  	s5 =	simm.s32 $0x1400;
	[sflag:s26] =	ssyncset.done $0x0;
	s9 =	rddreg [dreg:$0x8]  }
0xa7: {  	s6 =	sadd.s32 $0x5000, s6;
	[sflag:s26] =	ssyncadd.s32 $0xFFFFEC00;
	s7 =	sadd.s32 $0x5000, s9  }
.LBB2_2:
0xa8: {  	[hbm4b:s9+s18] =	stream.strided.scatter [tilespmem:s12], [sflag:$0x3], $0xA000, s22, s18, $0x38;
	[tilespmem:$0x1A400] =	vst v63  }
0xa9: {  	s8 =	smov.u32 s5;
	s9 =	smov.u32 s7  }
0xaa: {  	p0 =	sne.s32 s5, $0x16800;
	s5 =	sadd.s32 $0x1400, s5;
	_ =	swait.ge [sflag:s28], $0xA000  }
0xab: {  	s8 =	sshra.s32 s8, $0x2;
	[sflag:s28] =	ssyncset.done $0x0  }
0xac: {  	s10 =	sadd.s32 $0x500, s8;
	[sflag:s28] =	ssyncadd.s32 $0xFFFF6000  }
0xad: {  	[tilespmem:s12], [sflag:$0x1] =	stream.indirect.gather [hbm4b:s3+s11], $0x40, s10, s11, $0xb8;
	[tilespmem:$0x1A400] =	vst v63  }
0xae: {  	s10 =	sadd.s32 $0x550, s8  }
0xaf: {  	[tilespmem:s13], [sflag:$0x1] =	stream.indirect.gather [hbm4b:s3+s11], $0x40, s10, s11, $0xb8;
	[tilespmem:$0x1A400] =	vst v63  }
0xb0: {  	s10 =	sadd.s32 $0x5A0, s8  }
0xb1: {  	[tilespmem:s15], [sflag:$0x1] =	stream.indirect.gather [hbm4b:s3+s11], $0x40, s10, s11, $0xb8;
	[tilespmem:$0x1A400] =	vst v63  }
0xb2: {  	s10 =	sadd.s32 $0x5F0, s8  }
0xb3: {  	[tilespmem:s17], [sflag:$0x1] =	stream.indirect.gather [hbm4b:s3+s11], $0x40, s10, s11, $0xb8;
	[tilespmem:$0x1A400] =	vst v63  }
0xb4: {  	s10 =	sadd.s32 $0x640, s8  }
0xb5: {  	[tilespmem:s19], [sflag:$0x1] =	stream.indirect.gather [hbm4b:s3+s11], $0x40, s10, s11, $0xb8;
	[tilespmem:$0x1A400] =	vst v63  }
0xb6: {  	s10 =	sadd.s32 $0x690, s8  }
0xb7: {  	[tilespmem:s21], [sflag:$0x1] =	stream.indirect.gather [hbm4b:s3+s11], $0x40, s10, s11, $0xb8;
	[tilespmem:$0x1A400] =	vst v63  }
0xb8: {  	s10 =	sadd.s32 $0x6E0, s8  }
0xb9: {  	[tilespmem:s23], [sflag:$0x1] =	stream.indirect.gather [hbm4b:s3+s11], $0x40, s10, s11, $0xb8;
	[tilespmem:$0x1A400] =	vst v63  }
0xba: {  	s10 =	sadd.s32 $0x730, s8  }
0xbb: {  	[tilespmem:s25], [sflag:$0x1] =	stream.indirect.gather [hbm4b:s3+s11], $0x40, s10, s11, $0xb8;
	[tilespmem:$0x1A400] =	vst v63  }
0xbc: {  	_ =	swait.ge [sflag:s1], $0x1400  }
0xbd: {  	[sflag:s1] =	ssyncset.done $0x0  }
0xbe: {  	[sflag:s1] =	ssyncadd.s32 $0xFFFFEC00  }
0xbf: {  	_ =	swait.ge [sflag:s1], $0x1400  }
0xc0: {  	[sflag:s1] =	ssyncset.done $0x0  }
0xc1: {  	[sflag:s1] =	ssyncadd.s32 $0xFFFFEC00  }
0xc2: {  	_ =	swait.ge [sflag:s1], $0x1400  }
0xc3: {  	[sflag:s1] =	ssyncset.done $0x0  }
0xc4: {  	[sflag:s1] =	ssyncadd.s32 $0xFFFFEC00  }
0xc5: {  	_ =	swait.ge [sflag:s1], $0x1400  }
0xc6: {  	[sflag:s1] =	ssyncset.done $0x0  }
0xc7: {  	[sflag:s1] =	ssyncadd.s32 $0xFFFFEC00  }
0xc8: {  	_ =	swait.ge [sflag:s1], $0x1400  }
0xc9: {  	[sflag:s1] =	ssyncset.done $0x0  }
0xca: {  	[sflag:s1] =	ssyncadd.s32 $0xFFFFEC00  }
0xcb: {  	_ =	swait.ge [sflag:s1], $0x1400  }
0xcc: {  	[sflag:s1] =	ssyncset.done $0x0  }
0xcd: {  	[sflag:s1] =	ssyncadd.s32 $0xFFFFEC00  }
0xce: {  	_ =	swait.ge [sflag:s1], $0x1400  }
0xcf: {  	[sflag:s1] =	ssyncset.done $0x0  }
0xd0: {  	[sflag:s1] =	ssyncadd.s32 $0xFFFFEC00  }
0xd1: {  	_ =	swait.ge [sflag:s1], $0x1400  }
0xd2: {  	[sflag:s1] =	ssyncset.done $0x0  }
0xd3: {  	[sflag:s1] =	ssyncadd.s32 $0xFFFFEC00  }
0xd4: {  	[hbm4b:s6+s18] =	stream.strided.scatter [tilespmem:s29], [sflag:$0x4], $0xA000, s22, s18, $0x38;
	[tilespmem:$0x1A400] =	vst v63  }
0xd5: {  	_ =	swait.ge [sflag:s2], $0xA000  }
0xd6: {  	[sflag:s2] =	ssyncset.done $0x0  }
0xd7: {  	s10 =	sadd.s32 $0x780, s8;
	[sflag:s2] =	ssyncadd.s32 $0xFFFF6000  }
0xd8: {  	[tilespmem:s29], [sflag:$0x2] =	stream.indirect.gather [hbm4b:s3+s11], $0x40, s10, s11, $0xb8;
	[tilespmem:$0x1A400] =	vst v63  }
0xd9: {  	s10 =	sadd.s32 $0x7D0, s8  }
0xda: {  	[tilespmem:s31], [sflag:$0x2] =	stream.indirect.gather [hbm4b:s3+s11], $0x40, s10, s11, $0xb8;
	[tilespmem:$0x1A400] =	vst v63  }
0xdb: {  	s10 =	sadd.s32 $0x820, s8  }
0xdc: {  	[tilespmem:s0], [sflag:$0x2] =	stream.indirect.gather [hbm4b:s3+s11], $0x40, s10, s11, $0xb8;
	[tilespmem:$0x1A400] =	vst v63  }
0xdd: {  	s10 =	sadd.s32 $0x870, s8  }
0xde: {  	[tilespmem:s16], [sflag:$0x2] =	stream.indirect.gather [hbm4b:s3+s11], $0x40, s10, s11, $0xb8;
	[tilespmem:$0x1A400] =	vst v63  }
0xdf: {  	s10 =	sadd.s32 $0x8C0, s8  }
0xe0: {  	[tilespmem:s20], [sflag:$0x2] =	stream.indirect.gather [hbm4b:s3+s11], $0x40, s10, s11, $0xb8;
	[tilespmem:$0x1A400] =	vst v63  }
0xe1: {  	s10 =	sadd.s32 $0x910, s8  }
0xe2: {  	[tilespmem:s24], [sflag:$0x2] =	stream.indirect.gather [hbm4b:s3+s11], $0x40, s10, s11, $0xb8;
	[tilespmem:$0x1A400] =	vst v63  }
0xe3: {  	s10 =	sadd.s32 $0x960, s8  }
0xe4: {  	[tilespmem:s30], [sflag:$0x2] =	stream.indirect.gather [hbm4b:s3+s11], $0x40, s10, s11, $0xb8;
	[tilespmem:$0x1A400] =	vst v63  }
0xe5: {  	s8 =	sadd.s32 $0x9B0, s8  }
0xe6: {  	[tilespmem:s14], [sflag:$0x2] =	stream.indirect.gather [hbm4b:s3+s11], $0x40, s8, s11, $0xb8;
	[tilespmem:$0x1A400] =	vst v63  }
0xe7: {  	_ =	swait.ge [sflag:s26], $0x1400  }
0xe8: {  	[sflag:s26] =	ssyncset.done $0x0  }
0xe9: {  	[sflag:s26] =	ssyncadd.s32 $0xFFFFEC00  }
0xea: {  	_ =	swait.ge [sflag:s26], $0x1400  }
0xeb: {  	[sflag:s26] =	ssyncset.done $0x0  }
0xec: {  	[sflag:s26] =	ssyncadd.s32 $0xFFFFEC00  }
0xed: {  	_ =	swait.ge [sflag:s26], $0x1400  }
0xee: {  	[sflag:s26] =	ssyncset.done $0x0  }
0xef: {  	[sflag:s26] =	ssyncadd.s32 $0xFFFFEC00  }
0xf0: {  	_ =	swait.ge [sflag:s26], $0x1400  }
0xf1: {  	[sflag:s26] =	ssyncset.done $0x0  }
0xf2: {  	[sflag:s26] =	ssyncadd.s32 $0xFFFFEC00  }
0xf3: {  	_ =	swait.ge [sflag:s26], $0x1400  }
0xf4: {  	[sflag:s26] =	ssyncset.done $0x0  }
0xf5: {  	[sflag:s26] =	ssyncadd.s32 $0xFFFFEC00  }
0xf6: {  	_ =	swait.ge [sflag:s26], $0x1400  }
0xf7: {  	[sflag:s26] =	ssyncset.done $0x0  }
0xf8: {  	[sflag:s26] =	ssyncadd.s32 $0xFFFFEC00  }
0xf9: {  	_ =	swait.ge [sflag:s26], $0x1400  }
.Ltmp0:
0xfa: {  	[sflag:s26] =	ssyncset.done $0x0;
	(pc) =	sbr.rel @p0 .LBB2_2-.Ltmp0, $4  }
0xfb: {  	[sflag:s26] =	ssyncadd.s32 $0xFFFFEC00  }
0xfc: {  	_ =	swait.ge [sflag:s26], $0x1400  }
0xfd: {  	[sflag:s26] =	ssyncset.done $0x0  }
0xfe: {  	s7 =	sadd.s32 $0x5000, s7;
	s6 =	sadd.s32 $0x5000, s6;
	[sflag:s26] =	ssyncadd.s32 $0xFFFFEC00  }
0xff: {  	[hbm4b:s9+s18] =	stream.strided.scatter [tilespmem:s12], [sflag:$0x3], $0xA000, s22, s18, $0x38;
	[tilespmem:$0x1A400] =	vst v63  }
0x100: {  	_ =	swait.ge [sflag:s28], $0xA000  }
0x101: {  	[sflag:s28] =	ssyncset.done $0x0  }
0x102: {  	[sflag:s28] =	ssyncadd.s32 $0xFFFF6000  }
0x103: {  	_ =	swait.ge [sflag:s1], $0x1400  }
0x104: {  	[sflag:s1] =	ssyncset.done $0x0  }
0x105: {  	[sflag:s1] =	ssyncadd.s32 $0xFFFFEC00  }
0x106: {  	_ =	swait.ge [sflag:s1], $0x1400  }
0x107: {  	[sflag:s1] =	ssyncset.done $0x0  }
0x108: {  	[sflag:s1] =	ssyncadd.s32 $0xFFFFEC00  }
0x109: {  	_ =	swait.ge [sflag:s1], $0x1400  }
0x10a: {  	[sflag:s1] =	ssyncset.done $0x0  }
0x10b: {  	[sflag:s1] =	ssyncadd.s32 $0xFFFFEC00  }
0x10c: {  	_ =	swait.ge [sflag:s1], $0x1400  }
0x10d: {  	[sflag:s1] =	ssyncset.done $0x0  }
0x10e: {  	[sflag:s1] =	ssyncadd.s32 $0xFFFFEC00  }
0x10f: {  	_ =	swait.ge [sflag:s1], $0x1400  }
0x110: {  	[sflag:s1] =	ssyncset.done $0x0  }
0x111: {  	[sflag:s1] =	ssyncadd.s32 $0xFFFFEC00  }
0x112: {  	_ =	swait.ge [sflag:s1], $0x1400  }
0x113: {  	[sflag:s1] =	ssyncset.done $0x0  }
0x114: {  	[sflag:s1] =	ssyncadd.s32 $0xFFFFEC00  }
0x115: {  	_ =	swait.ge [sflag:s1], $0x1400  }
0x116: {  	[sflag:s1] =	ssyncset.done $0x0  }
0x117: {  	[sflag:s1] =	ssyncadd.s32 $0xFFFFEC00  }
0x118: {  	_ =	swait.ge [sflag:s1], $0x1400  }
0x119: {  	[sflag:s1] =	ssyncset.done $0x0  }
0x11a: {  	s5 =	rddreg [dreg:$0x5];
	[sflag:s1] =	ssyncadd.s32 $0xFFFFEC00  }
0x11b: {  	[hbm4b:s5+s18] =	stream.strided.scatter [tilespmem:s29], [sflag:$0x4], $0xA000, s22, s18, $0x38;
	[tilespmem:$0x1A400] =	vst v63  }
0x11c: {  	_ =	swait.ge [sflag:s2], $0xA000  }
0x11d: {  	s4 =	sadd.s32 $0x1, s4;
	s10 =	rddreg [dreg:$0x6]  }
0x11e: {  	p0 =	sne.s32 s4, s10  }
.Ltmp1:
0x11f: {  	_ = 	snop;
	(pc) =	sbr.rel @p0 .LBB2_1-.Ltmp1, $3  }
0x120: {  	_ =	sdelay $0x1  }
0x121: {  	[sflag:s2] =	ssyncset.done $0x0  }
0x122: {  	[sflag:s2] =	ssyncadd.s32 $0xFFFF6000  }
0x123: {  	_ =	sfence.sel $0x180000  }
0x124: {  	[bflag:$0x0] =	sbarrier.arrive $0xFFFF  }
0x125: {  	_ =	strace $0x90000047  }
0x126: {  	s0 =	stileid.u32;
	[bflag:$0x2] =	sbarrier.arrive $0xFFFF  }
0x127: {  	p0 =	sne.s32 s0, $0x0;
	s0 =	rddreg [dreg:$0x2]  }
0x128: {  	s0 =	sadd.s32 @!p0 $0x100000, s0  }
0x129: {  	[sflag:s0] =	ssyncadd.tile.s32 @!p0 $0x1;
	_ =	shalt  }
.Lfunc_end2:
_tile_overlayer_lowered:
.L_overlay_start_2:
0x12a: {  	(tag) =	ssettag $0x2  }
0x12b: {  	s0 =	rddreg [dreg:$0x0];
	s2 =	stileid.u32  }
0x12c: {  	s1 =	rddreg [dreg:$0x1];
	p0 =	sne.s32 s2, $0x0  }
0x12d: {  	s3 =	rddreg [dreg:$0x2];
	[bflag:$0x3] =	sbarrier.arrive $0xFFFF;
	s2 =	simm.s32 @!p0 $0x1C05  }
0x12e: {  	[timem:s3], [sflag:s2] =	dma.local @!p0 [hbm:s0], s1  }
0x12f: {  	s0 =	simm.s32 @!p0 $0x5  }
0x130: {  	_ =	swait.ge @!p0 [sflag:s0], s1  }
0x131: {  	s1 =	ssub.s32 @!p0 $0x0, s1;
	[sflag:s0] =	ssyncset.done @!p0 $0x0  }
0x132: {  	[sflag:s0] =	ssyncadd.s32 @!p0 s1  }
0x133: {  	[bflag:$0x3] =	sbarrier.arrive $0xFFFF  }
0x134: {  	_ =	shalt  }

// kernel: sparse-core-data-format-call.cloned.1.call-start
scs
called_computation_lowered:
.L_overlay_start_0:
0x0: {  	s2 =	sld [smem:$0x3FD9]  }
0x1: {  	s3 =	sld [smem:$0x3FFE];
	_ =	sdelay $0x1  }
0x2: {  	s1 =	srdreg.scid  }
0x3: {  	s0 =	sand.u32 $0x1, s1  }
0x4: {  	s18 =	sshll.u32 s0, $0xA;
	s2 =	sadd.s32 s3, s2  }
0x5: {  	s2 =	sadd.s32 s2, s18  }
0x6: {  	[smem:$0x3FC6] =	sst s2  }
0x7: {  	_ = 	snop  }
0x8: {  	s2 =	sld [smem:$0x3FD0];
	(tm) =	ssettm $0x1  }
0x9: {  	s19 =	sld [smem:$0x3FFB];
	_ =	sdelay $0x3  }
0xa: {  	_ =	strace s19  }
0xb: {  	s3 =	sld [smem:$0x3FFC];
	_ =	sdelay $0x3  }
0xc: {  	_ =	strace s3  }
0xd: {  	s3 =	sld [smem:$0x3FFD];
	_ =	sdelay $0x3  }
0xe: {  	_ =	strace s3  }
0xf: {  	_ =	strace $0x8FFFFFFF  }
0x10: {  	s20 =	sld [smem:$0x3FDB];
	_ =	sdelay $0x1  }
0x11: {  	s4 =	simm.s32 $_scs_section_size  }
0x12: {  	s5 =	simm.s32 $_size__tile_overlayer_lowered;
	s6 =	simm.s32 $_tile_overlayer_lowered  }
0x13: {  	s23 =	simm.s32 $0x1BFF;
	s22 =	sshll.u32 s6, $0x1;
	s3 =	sadd.s32 s4, s20  }
0x14: {  	s7 =	simm.s32 $0x0;
	s21 =	sshll.u32 s5, $0x1;
	s5 =	sadd.s32 s22, s3  }
0x15: {  	[timem:s7], [sflag:s23] =	dma.local [hbm:s5], s21  }
0x16: {  	_ =	swait.ge [sflag:s23], s21  }
0x17: {  	s4 =	ssub.s32 $0x0, s21;
	[sflag:s23] =	ssyncset.done $0x0  }
0x18: {  	[sflag:s23] =	ssyncadd.s32 s4;
	_ =	sdelay $0x1  }
0x19: {  	s24 =	simm.s32 $0x1B8B  }
0x1a: {  	_ =	swait.ge [sflag:s24], $0x1  }
0x1b: {  	[sflag:s24] =	ssyncset.done $0x0  }
0x1c: {  	s26 =	simm.s32 $0x1B8E;
	s25 =	sld [smem:$0x3FFE];
	[sflag:s24] =	ssyncadd.s32 $0xFFFFFFFF  }
0x1d: {  	s27 =	simm.s32 $execute0_lowered;
	[smem:$0x3FD2] =	sst s26  }
0x1e: {  	s5 =	sshll.u32 s27, $0x1;
	_ =	strace $0x80000049;
	[dreg:$0x1] =	wrdreg $0xFFFFFFFF  }
0x1f: {  	s28 =	simm.s32 $_size_execute0_lowered;
	s3 =	sadd.s32 s3, s5;
	[dreg:$0x0] =	wrdreg $0x0  }
0x20: {  	s5 =	sshll.u32 s28, $0x1;
	[dreg:$0x2] =	wrdreg s3  }
0x21: {  	[dreg:$0x3] =	wrdreg s5  }
0x22: {  	[dreg:$0x4] =	wrdreg $0xC0  }
0x23: {  	_ =	task [dreg:s7], $0x5FFFF  }
0x24: {  	[dreg:$0x1] =	wrdreg $0xFFFFFFFF  }
0x25: {  	[dreg:$0x0] =	wrdreg $0x60  }
0x26: {  	[dreg:$0x2] =	wrdreg s25  }
0x27: {  	[dreg:$0x3] =	wrdreg s2  }
0x28: {  	[dreg:$0x4] =	wrdreg $0x9  }
0x29: {  	_ =	task.clear_ibuf [dreg:s7], $0x5FFFF;
	_ =	strace $0x90000049  }
0x2a: {  	s29 =	simm.s32 $0x9;
	_ =	strace $0x8000004B  }
0x2b: {  	_ =	swait.ge [sflag:s29], $0x1  }
0x2c: {  	[sflag:s29] =	ssyncadd.s32 $0xFFFFFFFF  }
0x2d: {  	_ =	strace $0x9000004B  }
0x2e: {  	_ =	sfence  }
0x2f: {  	s30 =	sld [smem:$0x0];
	_ =	sdelay $0x2  }
0x30: {  	s31 =	sshll.u32 s1, $0xD;
	s1 =	sshrl.u32 s1, $0x2  }
0x31: {  	s3 =	sand.u32 $0x4000, s31;
	s1 =	sadd.s32 s1, s30  }
0x32: {  	s0 =	sor.u32 s3, s0;
	s1 =	sshll.u32 s1, $0x11  }
0x33: {  	s0 =	sor.u32 s1, s0  }
0x34: {  	s0 =	sadd.s32 $0x8F2B, s0  }
0x35: {  	[sflag:s0] =	ssyncadd.remote.s32 $0x1  }
0x36: {  	_ =	sfence.sel $0xFFFF  }
0x37: {  	[dreg:$0x0] =	wrdreg $0xFFFFFFFF;
	(pc) =	sbr.abs _section_cstart, $3  }
0x38: {  	[dreg:$0x1] =	wrdreg $0xFFFFFFFF  }
0x39: {  	_ =	task.clear_ibuf [dreg:s7], $0x2FFFF;
	_ =	strace $0x9FFFFFFF  }
0x3a: {  	(tm) =	ssettm $0x7FFFFFFF  }
0x3b: {  	_ =	shalt  }
tec
execute0_lowered:
.L_overlay_start_1:
0x0: {  	(tag) =	ssettag $0x1  }
0x1: {  	s0 =	srdreg.scid  }
0x2: {  	s1 =	sshll.u32 s0, $0x4  }
0x3: {  	s0 =	stileid.u32;
	s1 =	sand.u32 $0x10, s1  }
0x4: {  	s1 =	sor.u32 s0, s1  }
0x5: {  	s6 =	rddreg [dreg:$0x0];
	s4 =	simm.s32 $0x1;
	s2 =	sshll.u32 s1, $0x7  }
0x6: {  	s7 =	simm.s32 $0x2;
	s12 =	simm.s32 $0x0;
	s1 =	ssub.s32 $0x1000, s2  }
0x7: {  	s8 =	simm.s32 $0x8000;
	s13 =	simm.s32 $0x0;
	s3 =	sand.u32 $0xF80, s1  }
0x8: {  	s9 =	simm.s32 $0x0;
	s5 =	sshrl.u32 s1, $0xC;
	p0 =	sne.s32 s3, $0x0  }
.Ltmp0:
0x9: {  	s1 =	rddreg [dreg:$0x2];
	s4 =	simm.s32 @!p0 $0x0;
	(pc) =	sbr.rel .LBB1_1-.Ltmp0, $4  }
0xa: {  	s11 =	simm.s32 $0x0;
	s3 =	rddreg [dreg:$0x1];
	s5 =	sadd.s32 s4, s5  }
0xb: {  	_ =	strace $0x8000004A;
	s4 =	simm.s32 $0x1;
	s5 =	smul.u32 $0xC8, s5  }
0xc: {  	s6 =	sadd.s32 $0xF42C00, s6;
	s10 =	smov.u32 s2;
	[sflag:s4] =	ssyncpa.u1 $0x0  }
0xd: {  	p0 =	por $0x0, $0x0;
	[sflag:s7] =	ssyncpa.u1 $0x0;
	s7 =	sor.u32 $0x1, s5  }
.LBB1_4:
0xe: {  	s16 =	sshll.u32 s13, $0x3;
	s17 =	sand.u32 $0x78, s13  }
0xf: {  	s30 =	sand.u32 $0x7E00, s13;
	s12 =	sshll.u32 s12, $0xF;
	s16 =	sand.u32 $0xC00, s16  }
0x10: {  	[tilespmem:s15+$0x810 ss:$0x81] =	vst.msk $0xffff, v2;
	s31 =	sand.u32 $0x7, s13;
	s16 =	sor.u32 s17, s16;
	s17 =	sadd.s32 s3, s30  }
0x11: {  	[tilespmem:s15+$0x1020 ss:$0x81] =	vst.msk $0xffff, v0;
	s13 =	sshll.u32 s31, $0x12;
	s12 =	sadd.s32 s12, s17;
	s16 =	sshrl.u32 s16, $0x3  }
0x12: {  	[tilespmem:s15+$0x0 ss:$0x81] =	vst.msk $0xffff, v1;
	s13 =	sor.u32 $0x400, s13;
	s12 =	sadd.s32 s16, s12  }
0x13: {  	[hbm4b:s12+s13] =	stream.strided.scatter [tilespmem:s14], [sflag:$0x2], $0x2000, s8, s13, $0x20;
	[tilespmem:$0x8080] =	vst v63  }
.LBB1_5:
0x14: {  	s14 =	sadd.s32 $0x1, s9  }
0x15: {  	s12 =	sadd.s32 $0x1000, s10;
	s16 =	smov.u32 s10;
	p2 =	sgt.s32 s14, $0xC7  }
0x16: {  	s16 =	smov.u32 @p2 s12  }
0x17: {  	s14 =	simm.s32 @p2 $0x0;
	p2 =	sgt.s32 s16, $0xFFF  }
0x18: {  	s16 =	smov.u32 @p2 s2;
	p2 =	sne.s32 s11, s7  }
.Ltmp1:
0x19: {  	p1 =	slt.u32 s11, $0x2;
	(pc) =	sbr.rel @!p2 .LBB1_6-.Ltmp1, $4  }
0x1a: {  	s15 =	simm.s32 @!p1 $0x2  }
0x1b: {  	s13 =	smov.u32 s10;
	p0 =	por !p0, !p0;
	_ =	swait.ge @!p1 [sflag:s15], $0x2000  }
0x1c: {  	s12 =	smov.u32 s9;
	[sflag:s15] =	ssyncset.done @!p1 $0x0;
	s9 =	smov.u32 s14  }
0x1d: {  	s11 =	sadd.s32 $0x1, s11;
	[sflag:s15] =	ssyncadd.s32 @!p1 $0xFFFFE000;
	s10 =	smov.u32 s16  }
.LBB1_1:
0x1e: {  	p1 =	sge.u32 s11, s5  }
0x1f: {  	s14 =	sand.u32 @!p1 $0x1FFFFFF, s9  }
0x20: {  	s15 =	smulhi.u32 @!p1 $0x147AE15, s14;
	_ =	sdelay $0x1  }
0x21: {  	s15 =	smul.u32 @!p1 $0xC8, s15  }
0x22: {  	s16 =	sxor.u32 @!p1 $0xFFFFFFFF, s11;
	s17 =	smul.u32 @!p1 $0xC80, s10  }
0x23: {  	s31 =	sadd.s32 $0xFFFFFFFF, s11;
	s16 =	sshll.u32 @!p1 s16, $0xD;
	s14 =	ssub.s32 @!p1 s14, s15  }
0x24: {  	s15 =	sand.u32 @!p1 $0x2000, s16;
	s16 =	sadd.s32 @!p1 s6, s17;
	s14 =	sshll.u32 @!p1 s14, $0x4  }
0x25: {  	s17 =	simm.s32 @!p1 $0x6400;
	s14 =	sadd.s32 @!p1 s14, s16;
	s16 =	simm.s32 @!p1 $0x40  }
0x26: {  	[tilespmem:s15], [sflag:$0x1] =	stream.strided.gather @!p1 [hbm4b:s14+s16], $0x2000, s17, s16, $0x38;
	[tilespmem:$0x8080] =	vst v63  }
0x27: {  	p1 =	sge.u32 s31, s5  }
.Ltmp2:
0x28: {  	_ = 	snop;
	(pc) =	sbr.rel @p1 .LBB1_5-.Ltmp2, $1  }
0x29: {  	_ =	sdelay $0x3  }
0x2a: {  	s14 =	simm.s32 $0x1  }
0x2b: {  	_ =	swait.ge [sflag:s4], $0x2000;
	s14 =	simm.s32 @!p0 $0x0  }
0x2c: {  	[sflag:s4] =	ssyncset.done $0x0;
	s15 =	sshll.u32 s14, $0xD  }
0x2d: {  	[sflag:s4] =	ssyncadd.s32 $0xFFFFE000;
	s18 =	sor.u32 $0x20, s15  }
0x2e: {  	s14 =	smul.u32 $0x8100, s14;
	v3 =	vld [tilespmem:s18+$0x10]  }
0x2f: {  	s30 =	sand.u32 $0x1, s11;
	v2 =	vld [tilespmem:s18+$0xFFFFFFF0]  }
0x30: {  	s15 =	smul.u32 $0x8100, s30;
	s14 =	sshrl.u32 s14, $0x2;
	v0 =	vld [tilespmem:s18+$0x0]  }
0x31: {  	v1 =	vld [tilespmem:s18+$0xFFFFFFE0];
	s16 =	sor.u32 $0x4000, s14  }
0x32: {  	s31 =	sshrl.u32 s15, $0x2;
	s15 =	sadd.s32 $0x0, s16  }
0x33: {  	s17 =	simm.s32 $0x4;
	s18 =	sadd.s32 $0x40, s18;
	s14 =	sor.u32 $0x4000, s31;
	[tilespmem:s15+$0x1830 ss:$0x81] =	vst.msk $0xffff, v3  }
.LBB1_3:
0x34: {  	v3 =	vld [tilespmem:s18+$0x10];
	p1 =	sne.s32 s17, $0x1FC;
	[tilespmem:s15+$0x810 ss:$0x81] =	vst.msk $0xffff, v2;
	s19 =	smov.u32 s17;
	s17 =	sadd.s32 $0x4, s17  }
.Ltmp3:
0x35: {  	v2 =	vld [tilespmem:s18+$0xFFFFFFF0];
	[tilespmem:s15+$0x1020 ss:$0x81] =	vst.msk $0xffff, v0;
	(pc) =	sbr.rel @p1 .LBB1_3-.Ltmp3, $4  }
0x36: {  	v0 =	vld [tilespmem:s18+$0x0];
	[tilespmem:s15+$0x0 ss:$0x81] =	vst.msk $0xffff, v1  }
0x37: {  	s15 =	sshra.s32 s19, $0x2;
	v1 =	vld [tilespmem:s18+$0xFFFFFFE0]  }
0x38: {  	s15 =	sadd.s32 s15, s16  }
0x39: {  	s18 =	sadd.s32 $0x40, s18;
	[tilespmem:s15+$0x1830 ss:$0x81] =	vst.msk $0xffff, v3  }
.Ltmp4:
0x3a: {  	_ = 	snop;
	(pc) =	sbr.rel .LBB1_4-.Ltmp4, $1  }
0x3b: {  	_ =	sdelay $0x3  }
.LBB1_6:
0x3c: {  	_ =	sfence.sel $0x180000  }
0x3d: {  	s2 =	simm.s32 $0x1;
	[bflag:$0x0] =	sbarrier.arrive $0xFFFF  }
0x3e: {  	s31 =	simm.s32 $0x2;
	[sflag:s2] =	ssyncpa.u1 $0x1  }
0x3f: {  	[sflag:s31] =	ssyncpa.u1 $0x1  }
0x40: {  	p0 =	sne.s32 s0, $0x0;
	_ =	strace $0x9000004A  }
0x41: {  	s0 =	sadd.s32 @!p0 $0x100000, s1;
	[bflag:$0x2] =	sbarrier.arrive $0xFFFF  }
0x42: {  	[sflag:s0] =	ssyncadd.tile.s32 @!p0 $0x1;
	_ =	shalt  }
.Lfunc_end1:
_tile_overlayer_lowered:
.L_overlay_start_2:
0x43: {  	(tag) =	ssettag $0x2  }
0x44: {  	s0 =	rddreg [dreg:$0x0];
	s2 =	stileid.u32  }
0x45: {  	s1 =	rddreg [dreg:$0x1];
	p0 =	sne.s32 s2, $0x0  }
0x46: {  	s3 =	rddreg [dreg:$0x2];
	[bflag:$0x3] =	sbarrier.arrive $0xFFFF;
	s2 =	simm.s32 @!p0 $0x1C01  }
0x47: {  	[timem:s3], [sflag:s2] =	dma.local @!p0 [hbm:s0], s1  }
0x48: {  	s0 =	simm.s32 @!p0 $0x1  }
0x49: {  	_ =	swait.ge @!p0 [sflag:s0], s1  }
0x4a: {  	s1 =	ssub.s32 @!p0 $0x0, s1;
	[sflag:s0] =	ssyncset.done @!p0 $0x0  }
0x4b: {  	[sflag:s0] =	ssyncadd.s32 @!p0 s1  }
0x4c: {  	[bflag:$0x3] =	sbarrier.arrive $0xFFFF  }
0x4d: {  	_ =	shalt  }

</sc_bundles>
